<compile_context>
chip_gen: v7x
topology: tpu7x:2x2x1
jax: 0.10.2.dev20260603
libtpu: 0.0.44.dev20260713+nightly
codegen_flags: <defaults>
</compile_context>

<pallas_src>
import functools

import jax
import jax.numpy as jnp
from jax import lax
from jax.experimental import pallas as pl
from jax.experimental.pallas import tpu as pltpu
from jax.experimental.pallas import tpu_sc as plsc

EMBED_DIM = 128
HIST = 50
BATCH = 4096
VOCAB = 1002
NUM_WORKERS = 32
BPW = BATCH // NUM_WORKERS
STEPS = HIST
NBUF = 5
LOOK = 3

_mesh = plsc.VectorSubcoreMesh(core_axis_name="c", subcore_axis_name="s")


@functools.partial(
    pl.kernel,
    mesh=_mesh,
    out_type=jax.ShapeDtypeStruct((HIST, BATCH, EMBED_DIM), jnp.float32),
    scratch_types=[
        pltpu.VMEM((HIST, BPW), jnp.int32),
        pltpu.VMEM((NBUF, BPW, EMBED_DIM), jnp.float32),
        pltpu.VMEM_SHARED((VOCAB, EMBED_DIM), jnp.float32),
        pltpu.SemaphoreType.DMA((NBUF,)),
        pltpu.SemaphoreType.DMA((NBUF,)),
    ],
)
def _sc_gather(idx_hbm, table_hbm, out_hbm, idx_v, bufs, table_sh, gsem, wsem):
    c = lax.axis_index("c")
    s = lax.axis_index("s")
    wid = s * 2 + c
    b0 = wid * BPW

    @pl.when(s == 0)
    def _():
        pltpu.sync_copy(table_hbm, table_sh)

    pltpu.sync_copy(idx_hbm.at[:, pl.ds(b0, BPW)], idx_v)
    plsc.subcore_barrier()

    def gstart(j, b):
        pltpu.async_copy(table_sh.at[idx_v.at[j]], bufs.at[b], gsem.at[b])

    def gwait(j, b):
        pltpu.make_async_copy(
            table_sh.at[idx_v.at[j]], bufs.at[b], gsem.at[b]
        ).wait()

    def wstart(j, b):
        pltpu.async_copy(
            bufs.at[b], out_hbm.at[j, pl.ds(b0, BPW)], wsem.at[b]
        )

    def wwait(j, b):
        pltpu.make_async_copy(
            bufs.at[b], out_hbm.at[j, pl.ds(b0, BPW)], wsem.at[b]
        ).wait()

    for t in range(LOOK):
        gstart(t, t)

    def step(j, t):
        bn = (t + LOOK) % NBUF
        nj = j + LOOK

        @pl.when(jnp.logical_and(nj < STEPS, j >= NBUF - LOOK))
        def _():
            wwait(nj - NBUF, bn)

        @pl.when(nj < STEPS)
        def _():
            gstart(nj, bn)

        gwait(j, t)
        wstart(j, t)

    def body(jj, carry):
        j0 = jj * NBUF
        for t in range(NBUF):
            step(j0 + t, t)
        return carry

    lax.fori_loop(0, STEPS // NBUF, body, 0)
    for j in range((STEPS // NBUF) * NBUF, STEPS):
        step(j, j % NBUF)

    for t in range(NBUF):
        j = STEPS - NBUF + t
        wwait(j, j % NBUF)


def kernel(indices, embed_weight):
    idx_t = indices.astype(jnp.int32).T
    out = _sc_gather(idx_t, embed_weight)
    return out.transpose(1, 0, 2)

# --- scband reference (transcript-rebuilt; emitter-appended) ---
"""Pipeline reference for scband-base-model-22892175688068 (READ-ONLY COPY).

The authoritative reference and input builder live on the scoring server;
editing this copy changes nothing except your own understanding.
"""

import jax, jax.numpy as jnp
import numpy as np

VOCAB = 1002  # len(dicts[0]) + 2
EMBED = 128
BATCH = 4096
HIST = 50

def setup_inputs(seed: int = 0) -> dict:
    key = jax.random.key(seed)
    k1, k2 = jax.random.split(key)
    indices = jax.random.randint(k1, (BATCH, HIST), 0, VOCAB)
    embed_weight = jax.random.normal(k2, (VOCAB, EMBED), dtype=jnp.float32) * 0.02
    return {"indices": indices, "embed_weight": embed_weight}

def reference(indices, embed_weight):
    # BaseModel embedding lookup: self.embed(indices)
    # (self.embed_drop is identity in eval mode, so omitted for determinism)
    out = jnp.take(embed_weight, indices, axis=0)
    return out

if __name__ == "__main__":
    import jax
    _d = setup_inputs()
    print(jax.jit(kernel)(*tuple(_d.values())))

</pallas_src>

<mosaic_0001>
#map = affine_map<(d0, d1) -> (0, 0)>
#map1 = affine_map<(d0, d1) -> (0, 0, 0)>
module attributes {stable_mosaic.version = 14 : i64} {
  func.func @_sc_gather(%arg0: i32, %arg1: i32, %arg2: memref<50x4096xi32, #tpu.memory_space<hbm>>, %arg3: memref<1002x128xf32, #tpu.memory_space<hbm>>, %arg4: memref<50x4096x128xf32, #tpu.memory_space<hbm>>, %arg5: memref<50x128xi32, #tpu.memory_space<vmem>>, %arg6: memref<5x128x128xf32, #tpu.memory_space<vmem>>, %arg7: memref<1002x128xf32, #tpu.memory_space<vmem_shared>>, %arg8: memref<5x!tpu.dma_semaphore, #tpu.memory_space<semaphore_mem>>, %arg9: memref<5x!tpu.dma_semaphore, #tpu.memory_space<semaphore_mem>>) attributes {dimension_semantics = [#tpu.dimension_semantics<core_parallel>, #tpu.dimension_semantics<subcore_parallel>], iteration_bounds = array<i64: 2, 16>, scalar_prefetch = 0 : i64, scratch_operands = 5 : i64, tpu.core_type = #tpu.core_type<sc_vector_subcore>, window_params = [{transform_indices = #map}, {transform_indices = #map}, {transform_indices = #map1}]} {
    %mul3A = arith.constant 2 : i32
    %mul3A_0 = arith.muli %arg1, %mul3A : i32
    %add3A = arith.addi %mul3A_0, %arg0 : i32
    %mul3A_1 = arith.constant 128 : i32
    %mul3A_2 = arith.muli %add3A, %mul3A_1 : i32
    %eq3A = arith.constant 0 : i32
    %eq3A_3 = arith.cmpi eq, %arg1, %eq3A : i32
    %convert_element_type3A = arith.extui %eq3A_3 : i1 to i32
    %cond3A = arith.constant 0 : i32
    %cond3A_4 = arith.cmpi ne, %convert_element_type3A, %cond3A : i32
    scf.if %cond3A_4 {
      "tpu.region"() ({
        %run_scoped3A = tpu.sem_alloc : memref<!tpu.dma_semaphore, #tpu.memory_space<semaphore_mem>>
        tpu.enqueue_dma source(%arg3 : memref<1002x128xf32, #tpu.memory_space<hbm>>) target(%arg7 : memref<1002x128xf32, #tpu.memory_space<vmem_shared>>) target_semaphore(%run_scoped3A : memref<!tpu.dma_semaphore, #tpu.memory_space<semaphore_mem>>)
        tpu.wait_dma2 semaphore(%run_scoped3A : memref<!tpu.dma_semaphore, #tpu.memory_space<semaphore_mem>>) src(%arg3 : memref<1002x128xf32, #tpu.memory_space<hbm>>) dst(%arg7 : memref<1002x128xf32, #tpu.memory_space<vmem_shared>>)
        tpu.yield
      }) : () -> ()
    } else {
    }
    "tpu.region"() ({
      %run_scoped3A = tpu.sem_alloc : memref<!tpu.dma_semaphore, #tpu.memory_space<semaphore_mem>>
      %dma_start3A_148 = arith.constant 0 : i32
      %dma_start3A_149 = tpu.memref_slice %arg2[%dma_start3A_148, %mul3A_2] : memref<50x4096xi32, #tpu.memory_space<hbm>> -> memref<50x128xi32, #tpu.memory_space<hbm>>
      %dma_start3A_150 = arith.constant 0 : i32
      %dma_start3A_151 = tpu.memref_slice %arg2[%dma_start3A_150, %mul3A_2] : memref<50x4096xi32, #tpu.memory_space<hbm>> -> memref<50x128xi32, #tpu.memory_space<hbm>>
      tpu.enqueue_dma source(%dma_start3A_151 : memref<50x128xi32, #tpu.memory_space<hbm>>) target(%arg5 : memref<50x128xi32, #tpu.memory_space<vmem>>) target_semaphore(%run_scoped3A : memref<!tpu.dma_semaphore, #tpu.memory_space<semaphore_mem>>)
      %dma_wait3A_152 = arith.constant 0 : i32
      %dma_wait3A_153 = tpu.memref_slice %arg2[%dma_wait3A_152, %mul3A_2] : memref<50x4096xi32, #tpu.memory_space<hbm>> -> memref<50x128xi32, #tpu.memory_space<hbm>>
      %dma_wait3A_154 = arith.constant 0 : i32
      %dma_wait3A_155 = tpu.memref_slice %arg2[%dma_wait3A_154, %mul3A_2] : memref<50x4096xi32, #tpu.memory_space<hbm>> -> memref<50x128xi32, #tpu.memory_space<hbm>>
      tpu.wait_dma2 semaphore(%run_scoped3A : memref<!tpu.dma_semaphore, #tpu.memory_space<semaphore_mem>>) src(%dma_wait3A_155 : memref<50x128xi32, #tpu.memory_space<hbm>>) dst(%arg5 : memref<50x128xi32, #tpu.memory_space<vmem>>)
      tpu.yield
    }) : () -> ()
    %barrier3A = arith.constant 0 : index
    tpu.barrier barrier_id(%barrier3A)
    %dma_start3A = arith.constant 0 : i32
    %dma_start3A_5 = arith.constant 0 : i32
    %dma_start3A_6 = arith.constant 0 : i32
    %dma_start3A_7 = arith.constant 0 : i32
    %dma_start3A_8 = arith.constant 0 : i32
    %dma_start3A_9 = tpu.memref_slice %arg6[%dma_start3A_5, %dma_start3A_7, %dma_start3A_8] : memref<5x128x128xf32, #tpu.memory_space<vmem>> -> memref<1x128x128xf32, #tpu.memory_space<vmem>>
    %dma_start3A_10 = tpu.memref_squeeze %dma_start3A_9 : memref<1x128x128xf32, #tpu.memory_space<vmem>> -> memref<128x128xf32, #tpu.memory_space<vmem>>
    %dma_start3A_11 = arith.constant 0 : i32
    %dma_start3A_12 = tpu.memref_slice %arg5[%dma_start3A, %dma_start3A_11] : memref<50x128xi32, #tpu.memory_space<vmem>> -> memref<1x128xi32, #tpu.memory_space<vmem>>
    %dma_start3A_13 = tpu.memref_squeeze %dma_start3A_12 : memref<1x128xi32, #tpu.memory_space<vmem>> -> memref<128xi32, #tpu.memory_space<vmem>>
    %dma_start3A_14 = arith.constant 0 : i32
    %dma_start3A_15 = arith.constant 0 : i32
    %dma_start3A_16 = tpu.memref_slice %arg7[%dma_start3A_14, %dma_start3A_15] : memref<1002x128xf32, #tpu.memory_space<vmem_shared>> -> memref<1002x128xf32, #tpu.memory_space<vmem_shared>>
    %dma_start3A_17 = tpu.memref_slice %arg8[%dma_start3A_6] : memref<5x!tpu.dma_semaphore, #tpu.memory_space<semaphore_mem>> -> memref<1x!tpu.dma_semaphore, #tpu.memory_space<semaphore_mem>>
    %dma_start3A_18 = tpu.memref_squeeze %dma_start3A_17 : memref<1x!tpu.dma_semaphore, #tpu.memory_space<semaphore_mem>> -> memref<!tpu.dma_semaphore, #tpu.memory_space<semaphore_mem>>
    tpu.enqueue_indirect_dma source(%dma_start3A_16 : memref<1002x128xf32, #tpu.memory_space<vmem_shared>>) target(%dma_start3A_10 : memref<128x128xf32, #tpu.memory_space<vmem>>) offsets(%dma_start3A_13 : memref<128xi32, #tpu.memory_space<vmem>>) semaphore(%dma_start3A_18 : memref<!tpu.dma_semaphore, #tpu.memory_space<semaphore_mem>>)
    %dma_start3A_19 = arith.constant 1 : i32
    %dma_start3A_20 = arith.constant 1 : i32
    %dma_start3A_21 = arith.constant 1 : i32
    %dma_start3A_22 = arith.constant 0 : i32
    %dma_start3A_23 = arith.constant 0 : i32
    %dma_start3A_24 = tpu.memref_slice %arg6[%dma_start3A_20, %dma_start3A_22, %dma_start3A_23] : memref<5x128x128xf32, #tpu.memory_space<vmem>> -> memref<1x128x128xf32, #tpu.memory_space<vmem>>
    %dma_start3A_25 = tpu.memref_squeeze %dma_start3A_24 : memref<1x128x128xf32, #tpu.memory_space<vmem>> -> memref<128x128xf32, #tpu.memory_space<vmem>>
    %dma_start3A_26 = arith.constant 0 : i32
    %dma_start3A_27 = tpu.memref_slice %arg5[%dma_start3A_19, %dma_start3A_26] : memref<50x128xi32, #tpu.memory_space<vmem>> -> memref<1x128xi32, #tpu.memory_space<vmem>>
    %dma_start3A_28 = tpu.memref_squeeze %dma_start3A_27 : memref<1x128xi32, #tpu.memory_space<vmem>> -> memref<128xi32, #tpu.memory_space<vmem>>
    %dma_start3A_29 = arith.constant 0 : i32
    %dma_start3A_30 = arith.constant 0 : i32
    %dma_start3A_31 = tpu.memref_slice %arg7[%dma_start3A_29, %dma_start3A_30] : memref<1002x128xf32, #tpu.memory_space<vmem_shared>> -> memref<1002x128xf32, #tpu.memory_space<vmem_shared>>
    %dma_start3A_32 = tpu.memref_slice %arg8[%dma_start3A_21] : memref<5x!tpu.dma_semaphore, #tpu.memory_space<semaphore_mem>> -> memref<1x!tpu.dma_semaphore, #tpu.memory_space<semaphore_mem>>
    %dma_start3A_33 = tpu.memref_squeeze %dma_start3A_32 : memref<1x!tpu.dma_semaphore, #tpu.memory_space<semaphore_mem>> -> memref<!tpu.dma_semaphore, #tpu.memory_space<semaphore_mem>>
    tpu.enqueue_indirect_dma source(%dma_start3A_31 : memref<1002x128xf32, #tpu.memory_space<vmem_shared>>) target(%dma_start3A_25 : memref<128x128xf32, #tpu.memory_space<vmem>>) offsets(%dma_start3A_28 : memref<128xi32, #tpu.memory_space<vmem>>) semaphore(%dma_start3A_33 : memref<!tpu.dma_semaphore, #tpu.memory_space<semaphore_mem>>)
    %dma_start3A_34 = arith.constant 2 : i32
    %dma_start3A_35 = arith.constant 2 : i32
    %dma_start3A_36 = arith.constant 2 : i32
    %dma_start3A_37 = arith.constant 0 : i32
    %dma_start3A_38 = arith.constant 0 : i32
    %dma_start3A_39 = tpu.memref_slice %arg6[%dma_start3A_35, %dma_start3A_37, %dma_start3A_38] : memref<5x128x128xf32, #tpu.memory_space<vmem>> -> memref<1x128x128xf32, #tpu.memory_space<vmem>>
    %dma_start3A_40 = tpu.memref_squeeze %dma_start3A_39 : memref<1x128x128xf32, #tpu.memory_space<vmem>> -> memref<128x128xf32, #tpu.memory_space<vmem>>
    %dma_start3A_41 = arith.constant 0 : i32
    %dma_start3A_42 = tpu.memref_slice %arg5[%dma_start3A_34, %dma_start3A_41] : memref<50x128xi32, #tpu.memory_space<vmem>> -> memref<1x128xi32, #tpu.memory_space<vmem>>
    %dma_start3A_43 = tpu.memref_squeeze %dma_start3A_42 : memref<1x128xi32, #tpu.memory_space<vmem>> -> memref<128xi32, #tpu.memory_space<vmem>>
    %dma_start3A_44 = arith.constant 0 : i32
    %dma_start3A_45 = arith.constant 0 : i32
    %dma_start3A_46 = tpu.memref_slice %arg7[%dma_start3A_44, %dma_start3A_45] : memref<1002x128xf32, #tpu.memory_space<vmem_shared>> -> memref<1002x128xf32, #tpu.memory_space<vmem_shared>>
    %dma_start3A_47 = tpu.memref_slice %arg8[%dma_start3A_36] : memref<5x!tpu.dma_semaphore, #tpu.memory_space<semaphore_mem>> -> memref<1x!tpu.dma_semaphore, #tpu.memory_space<semaphore_mem>>
    %dma_start3A_48 = tpu.memref_squeeze %dma_start3A_47 : memref<1x!tpu.dma_semaphore, #tpu.memory_space<semaphore_mem>> -> memref<!tpu.dma_semaphore, #tpu.memory_space<semaphore_mem>>
    tpu.enqueue_indirect_dma source(%dma_start3A_46 : memref<1002x128xf32, #tpu.memory_space<vmem_shared>>) target(%dma_start3A_40 : memref<128x128xf32, #tpu.memory_space<vmem>>) offsets(%dma_start3A_43 : memref<128xi32, #tpu.memory_space<vmem>>) semaphore(%dma_start3A_48 : memref<!tpu.dma_semaphore, #tpu.memory_space<semaphore_mem>>)
    %scan3A = arith.constant 0 : i32
    %scan3A_49 = arith.constant 0 : i32
    %scan3A_50 = arith.constant 10 : i32
    %scan3A_51 = arith.addi %scan3A_49, %scan3A_50 : i32
    %scan3A_52 = arith.constant 1 : i32
    scf.for %scan3A_148 = %scan3A_49 to %scan3A_51 step %scan3A_52  : i32 {
      %mul3A_149 = arith.constant 5 : i32
      %mul3A_150 = arith.muli %scan3A_148, %mul3A_149 : i32
      %add3A_151 = arith.constant 0 : i32
      %add3A_152 = arith.addi %mul3A_150, %add3A_151 : i32
      %add3A_153 = arith.constant 3 : i32
      %add3A_154 = arith.addi %add3A_152, %add3A_153 : i32
      %lt3A = arith.constant 50 : i32
      %lt3A_155 = arith.cmpi slt, %add3A_154, %lt3A : i32
      %ge3A = arith.constant 2 : i32
      %ge3A_156 = arith.cmpi sge, %add3A_152, %ge3A : i32
      %and3A = arith.andi %lt3A_155, %ge3A_156 : i1
      %convert_element_type3A_157 = arith.extui %and3A : i1 to i32
      %cond3A_158 = arith.constant 0 : i32
      %cond3A_159 = arith.cmpi ne, %convert_element_type3A_157, %cond3A_158 : i32
      scf.if %cond3A_159 {
        %sub3A = arith.constant 5 : i32
        %sub3A_393 = arith.subi %add3A_154, %sub3A : i32
        %dma_wait3A_394 = arith.constant 3 : i32
        %dma_wait3A_395 = arith.constant 3 : i32
        %dma_wait3A_396 = arith.constant 0 : i32
        %dma_wait3A_397 = arith.constant 0 : i32
        %dma_wait3A_398 = tpu.memref_slice %arg6[%dma_wait3A_394, %dma_wait3A_396, %dma_wait3A_397] : memref<5x128x128xf32, #tpu.memory_space<vmem>> -> memref<1x128x128xf32, #tpu.memory_space<vmem>>
        %dma_wait3A_399 = tpu.memref_squeeze %dma_wait3A_398 : memref<1x128x128xf32, #tpu.memory_space<vmem>> -> memref<128x128xf32, #tpu.memory_space<vmem>>
        %dma_wait3A_400 = arith.constant 0 : i32
        %dma_wait3A_401 = tpu.memref_slice %arg4[%sub3A_393, %mul3A_2, %dma_wait3A_400] : memref<50x4096x128xf32, #tpu.memory_space<hbm>> -> memref<1x128x128xf32, #tpu.memory_space<hbm>>
        %dma_wait3A_402 = tpu.memref_squeeze %dma_wait3A_401 : memref<1x128x128xf32, #tpu.memory_space<hbm>> -> memref<128x128xf32, #tpu.memory_space<hbm>>
        %dma_wait3A_403 = tpu.memref_slice %arg9[%dma_wait3A_395] : memref<5x!tpu.dma_semaphore, #tpu.memory_space<semaphore_mem>> -> memref<1x!tpu.dma_semaphore, #tpu.memory_space<semaphore_mem>>
        %dma_wait3A_404 = tpu.memref_squeeze %dma_wait3A_403 : memref<1x!tpu.dma_semaphore, #tpu.memory_space<semaphore_mem>> -> memref<!tpu.dma_semaphore, #tpu.memory_space<semaphore_mem>>
        %dma_wait3A_405 = arith.constant 0 : i32
        %dma_wait3A_406 = tpu.memref_slice %arg4[%sub3A_393, %mul3A_2, %dma_wait3A_405] : memref<50x4096x128xf32, #tpu.memory_space<hbm>> -> memref<1x128x128xf32, #tpu.memory_space<hbm>>
        %dma_wait3A_407 = tpu.memref_squeeze %dma_wait3A_406 : memref<1x128x128xf32, #tpu.memory_space<hbm>> -> memref<128x128xf32, #tpu.memory_space<hbm>>
        %dma_wait3A_408 = arith.constant 0 : i32
        %dma_wait3A_409 = arith.constant 0 : i32
        %dma_wait3A_410 = tpu.memref_slice %arg6[%dma_wait3A_394, %dma_wait3A_408, %dma_wait3A_409] : memref<5x128x128xf32, #tpu.memory_space<vmem>> -> memref<1x128x128xf32, #tpu.memory_space<vmem>>
        %dma_wait3A_411 = tpu.memref_squeeze %dma_wait3A_410 : memref<1x128x128xf32, #tpu.memory_space<vmem>> -> memref<128x128xf32, #tpu.memory_space<vmem>>
        tpu.wait_dma2 semaphore(%dma_wait3A_404 : memref<!tpu.dma_semaphore, #tpu.memory_space<semaphore_mem>>) src(%dma_wait3A_411 : memref<128x128xf32, #tpu.memory_space<vmem>>) dst(%dma_wait3A_407 : memref<128x128xf32, #tpu.memory_space<hbm>>)
      } else {
      }
      %lt3A_160 = arith.constant 50 : i32
      %lt3A_161 = arith.cmpi slt, %add3A_154, %lt3A_160 : i32
      %convert_element_type3A_162 = arith.extui %lt3A_161 : i1 to i32
      %cond3A_163 = arith.constant 0 : i32
      %cond3A_164 = arith.cmpi ne, %convert_element_type3A_162, %cond3A_163 : i32
      scf.if %cond3A_164 {
        %dma_start3A_393 = arith.constant 3 : i32
        %dma_start3A_394 = arith.constant 3 : i32
        %dma_start3A_395 = arith.constant 0 : i32
        %dma_start3A_396 = arith.constant 0 : i32
        %dma_start3A_397 = tpu.memref_slice %arg6[%dma_start3A_393, %dma_start3A_395, %dma_start3A_396] : memref<5x128x128xf32, #tpu.memory_space<vmem>> -> memref<1x128x128xf32, #tpu.memory_space<vmem>>
        %dma_start3A_398 = tpu.memref_squeeze %dma_start3A_397 : memref<1x128x128xf32, #tpu.memory_space<vmem>> -> memref<128x128xf32, #tpu.memory_space<vmem>>
        %dma_start3A_399 = arith.constant 0 : i32
        %dma_start3A_400 = tpu.memref_slice %arg5[%add3A_154, %dma_start3A_399] : memref<50x128xi32, #tpu.memory_space<vmem>> -> memref<1x128xi32, #tpu.memory_space<vmem>>
        %dma_start3A_401 = tpu.memref_squeeze %dma_start3A_400 : memref<1x128xi32, #tpu.memory_space<vmem>> -> memref<128xi32, #tpu.memory_space<vmem>>
        %dma_start3A_402 = arith.constant 0 : i32
        %dma_start3A_403 = arith.constant 0 : i32
        %dma_start3A_404 = tpu.memref_slice %arg7[%dma_start3A_402, %dma_start3A_403] : memref<1002x128xf32, #tpu.memory_space<vmem_shared>> -> memref<1002x128xf32, #tpu.memory_space<vmem_shared>>
        %dma_start3A_405 = tpu.memref_slice %arg8[%dma_start3A_394] : memref<5x!tpu.dma_semaphore, #tpu.memory_space<semaphore_mem>> -> memref<1x!tpu.dma_semaphore, #tpu.memory_space<semaphore_mem>>
        %dma_start3A_406 = tpu.memref_squeeze %dma_start3A_405 : memref<1x!tpu.dma_semaphore, #tpu.memory_space<semaphore_mem>> -> memref<!tpu.dma_semaphore, #tpu.memory_space<semaphore_mem>>
        tpu.enqueue_indirect_dma source(%dma_start3A_404 : memref<1002x128xf32, #tpu.memory_space<vmem_shared>>) target(%dma_start3A_398 : memref<128x128xf32, #tpu.memory_space<vmem>>) offsets(%dma_start3A_401 : memref<128xi32, #tpu.memory_space<vmem>>) semaphore(%dma_start3A_406 : memref<!tpu.dma_semaphore, #tpu.memory_space<semaphore_mem>>)
      } else {
      }
      %dma_wait3A_165 = arith.constant 0 : i32
      %dma_wait3A_166 = arith.constant 0 : i32
      %dma_wait3A_167 = arith.constant 0 : i32
      %dma_wait3A_168 = arith.constant 0 : i32
      %dma_wait3A_169 = tpu.memref_slice %arg6[%dma_wait3A_165, %dma_wait3A_167, %dma_wait3A_168] : memref<5x128x128xf32, #tpu.memory_space<vmem>> -> memref<1x128x128xf32, #tpu.memory_space<vmem>>
      %dma_wait3A_170 = tpu.memref_squeeze %dma_wait3A_169 : memref<1x128x128xf32, #tpu.memory_space<vmem>> -> memref<128x128xf32, #tpu.memory_space<vmem>>
      %dma_wait3A_171 = arith.constant 0 : i32
      %dma_wait3A_172 = tpu.memref_slice %arg5[%add3A_152, %dma_wait3A_171] : memref<50x128xi32, #tpu.memory_space<vmem>> -> memref<1x128xi32, #tpu.memory_space<vmem>>
      %dma_wait3A_173 = tpu.memref_squeeze %dma_wait3A_172 : memref<1x128xi32, #tpu.memory_space<vmem>> -> memref<128xi32, #tpu.memory_space<vmem>>
      %dma_wait3A_174 = arith.constant 0 : i32
      %dma_wait3A_175 = arith.constant 0 : i32
      %dma_wait3A_176 = tpu.memref_slice %arg7[%dma_wait3A_174, %dma_wait3A_175] : memref<1002x128xf32, #tpu.memory_space<vmem_shared>> -> memref<1002x128xf32, #tpu.memory_space<vmem_shared>>
      %dma_wait3A_177 = tpu.memref_slice %arg8[%dma_wait3A_166] : memref<5x!tpu.dma_semaphore, #tpu.memory_space<semaphore_mem>> -> memref<1x!tpu.dma_semaphore, #tpu.memory_space<semaphore_mem>>
      %dma_wait3A_178 = tpu.memref_squeeze %dma_wait3A_177 : memref<1x!tpu.dma_semaphore, #tpu.memory_space<semaphore_mem>> -> memref<!tpu.dma_semaphore, #tpu.memory_space<semaphore_mem>>
      tpu.wait_indirect_dma semaphore(%dma_wait3A_178 : memref<!tpu.dma_semaphore, #tpu.memory_space<semaphore_mem>>) src(%dma_wait3A_176 : memref<1002x128xf32, #tpu.memory_space<vmem_shared>>) dst(%dma_wait3A_170 : memref<128x128xf32, #tpu.memory_space<vmem>>)
      %dma_start3A_179 = arith.constant 0 : i32
      %dma_start3A_180 = arith.constant 0 : i32
      %dma_start3A_181 = arith.constant 0 : i32
      %dma_start3A_182 = arith.constant 0 : i32
      %dma_start3A_183 = tpu.memref_slice %arg6[%dma_start3A_179, %dma_start3A_181, %dma_start3A_182] : memref<5x128x128xf32, #tpu.memory_space<vmem>> -> memref<1x128x128xf32, #tpu.memory_space<vmem>>
      %dma_start3A_184 = tpu.memref_squeeze %dma_start3A_183 : memref<1x128x128xf32, #tpu.memory_space<vmem>> -> memref<128x128xf32, #tpu.memory_space<vmem>>
      %dma_start3A_185 = arith.constant 0 : i32
      %dma_start3A_186 = tpu.memref_slice %arg4[%add3A_152, %mul3A_2, %dma_start3A_185] : memref<50x4096x128xf32, #tpu.memory_space<hbm>> -> memref<1x128x128xf32, #tpu.memory_space<hbm>>
      %dma_start3A_187 = tpu.memref_squeeze %dma_start3A_186 : memref<1x128x128xf32, #tpu.memory_space<hbm>> -> memref<128x128xf32, #tpu.memory_space<hbm>>
      %dma_start3A_188 = tpu.memref_slice %arg9[%dma_start3A_180] : memref<5x!tpu.dma_semaphore, #tpu.memory_space<semaphore_mem>> -> memref<1x!tpu.dma_semaphore, #tpu.memory_space<semaphore_mem>>
      %dma_start3A_189 = tpu.memref_squeeze %dma_start3A_188 : memref<1x!tpu.dma_semaphore, #tpu.memory_space<semaphore_mem>> -> memref<!tpu.dma_semaphore, #tpu.memory_space<semaphore_mem>>
      %dma_start3A_190 = arith.constant 0 : i32
      %dma_start3A_191 = tpu.memref_slice %arg4[%add3A_152, %mul3A_2, %dma_start3A_190] : memref<50x4096x128xf32, #tpu.memory_space<hbm>> -> memref<1x128x128xf32, #tpu.memory_space<hbm>>
      %dma_start3A_192 = tpu.memref_squeeze %dma_start3A_191 : memref<1x128x128xf32, #tpu.memory_space<hbm>> -> memref<128x128xf32, #tpu.memory_space<hbm>>
      %dma_start3A_193 = arith.constant 0 : i32
      %dma_start3A_194 = arith.constant 0 : i32
      %dma_start3A_195 = tpu.memref_slice %arg6[%dma_start3A_179, %dma_start3A_193, %dma_start3A_194] : memref<5x128x128xf32, #tpu.memory_space<vmem>> -> memref<1x128x128xf32, #tpu.memory_space<vmem>>
      %dma_start3A_196 = tpu.memref_squeeze %dma_start3A_195 : memref<1x128x128xf32, #tpu.memory_space<vmem>> -> memref<128x128xf32, #tpu.memory_space<vmem>>
      tpu.enqueue_dma source(%dma_start3A_196 : memref<128x128xf32, #tpu.memory_space<vmem>>) target(%dma_start3A_192 : memref<128x128xf32, #tpu.memory_space<hbm>>) target_semaphore(%dma_start3A_189 : memref<!tpu.dma_semaphore, #tpu.memory_space<semaphore_mem>>)
      %add3A_197 = arith.constant 1 : i32
      %add3A_198 = arith.addi %mul3A_150, %add3A_197 : i32
      %add3A_199 = arith.constant 3 : i32
      %add3A_200 = arith.addi %add3A_198, %add3A_199 : i32
      %lt3A_201 = arith.constant 50 : i32
      %lt3A_202 = arith.cmpi slt, %add3A_200, %lt3A_201 : i32
      %ge3A_203 = arith.constant 2 : i32
      %ge3A_204 = arith.cmpi sge, %add3A_198, %ge3A_203 : i32
      %and3A_205 = arith.andi %lt3A_202, %ge3A_204 : i1
      %convert_element_type3A_206 = arith.extui %and3A_205 : i1 to i32
      %cond3A_207 = arith.constant 0 : i32
      %cond3A_208 = arith.cmpi ne, %convert_element_type3A_206, %cond3A_207 : i32
      scf.if %cond3A_208 {
        %sub3A = arith.constant 5 : i32
        %sub3A_393 = arith.subi %add3A_200, %sub3A : i32
        %dma_wait3A_394 = arith.constant 4 : i32
        %dma_wait3A_395 = arith.constant 4 : i32
        %dma_wait3A_396 = arith.constant 0 : i32
        %dma_wait3A_397 = arith.constant 0 : i32
        %dma_wait3A_398 = tpu.memref_slice %arg6[%dma_wait3A_394, %dma_wait3A_396, %dma_wait3A_397] : memref<5x128x128xf32, #tpu.memory_space<vmem>> -> memref<1x128x128xf32, #tpu.memory_space<vmem>>
        %dma_wait3A_399 = tpu.memref_squeeze %dma_wait3A_398 : memref<1x128x128xf32, #tpu.memory_space<vmem>> -> memref<128x128xf32, #tpu.memory_space<vmem>>
        %dma_wait3A_400 = arith.constant 0 : i32
        %dma_wait3A_401 = tpu.memref_slice %arg4[%sub3A_393, %mul3A_2, %dma_wait3A_400] : memref<50x4096x128xf32, #tpu.memory_space<hbm>> -> memref<1x128x128xf32, #tpu.memory_space<hbm>>
        %dma_wait3A_402 = tpu.memref_squeeze %dma_wait3A_401 : memref<1x128x128xf32, #tpu.memory_space<hbm>> -> memref<128x128xf32, #tpu.memory_space<hbm>>
        %dma_wait3A_403 = tpu.memref_slice %arg9[%dma_wait3A_395] : memref<5x!tpu.dma_semaphore, #tpu.memory_space<semaphore_mem>> -> memref<1x!tpu.dma_semaphore, #tpu.memory_space<semaphore_mem>>
        %dma_wait3A_404 = tpu.memref_squeeze %dma_wait3A_403 : memref<1x!tpu.dma_semaphore, #tpu.memory_space<semaphore_mem>> -> memref<!tpu.dma_semaphore, #tpu.memory_space<semaphore_mem>>
        %dma_wait3A_405 = arith.constant 0 : i32
        %dma_wait3A_406 = tpu.memref_slice %arg4[%sub3A_393, %mul3A_2, %dma_wait3A_405] : memref<50x4096x128xf32, #tpu.memory_space<hbm>> -> memref<1x128x128xf32, #tpu.memory_space<hbm>>
        %dma_wait3A_407 = tpu.memref_squeeze %dma_wait3A_406 : memref<1x128x128xf32, #tpu.memory_space<hbm>> -> memref<128x128xf32, #tpu.memory_space<hbm>>
        %dma_wait3A_408 = arith.constant 0 : i32
        %dma_wait3A_409 = arith.constant 0 : i32
        %dma_wait3A_410 = tpu.memref_slice %arg6[%dma_wait3A_394, %dma_wait3A_408, %dma_wait3A_409] : memref<5x128x128xf32, #tpu.memory_space<vmem>> -> memref<1x128x128xf32, #tpu.memory_space<vmem>>
        %dma_wait3A_411 = tpu.memref_squeeze %dma_wait3A_410 : memref<1x128x128xf32, #tpu.memory_space<vmem>> -> memref<128x128xf32, #tpu.memory_space<vmem>>
        tpu.wait_dma2 semaphore(%dma_wait3A_404 : memref<!tpu.dma_semaphore, #tpu.memory_space<semaphore_mem>>) src(%dma_wait3A_411 : memref<128x128xf32, #tpu.memory_space<vmem>>) dst(%dma_wait3A_407 : memref<128x128xf32, #tpu.memory_space<hbm>>)
      } else {
      }
      %lt3A_209 = arith.constant 50 : i32
      %lt3A_210 = arith.cmpi slt, %add3A_200, %lt3A_209 : i32
      %convert_element_type3A_211 = arith.extui %lt3A_210 : i1 to i32
      %cond3A_212 = arith.constant 0 : i32
      %cond3A_213 = arith.cmpi ne, %convert_element_type3A_211, %cond3A_212 : i32
      scf.if %cond3A_213 {
        %dma_start3A_393 = arith.constant 4 : i32
        %dma_start3A_394 = arith.constant 4 : i32
        %dma_start3A_395 = arith.constant 0 : i32
        %dma_start3A_396 = arith.constant 0 : i32
        %dma_start3A_397 = tpu.memref_slice %arg6[%dma_start3A_393, %dma_start3A_395, %dma_start3A_396] : memref<5x128x128xf32, #tpu.memory_space<vmem>> -> memref<1x128x128xf32, #tpu.memory_space<vmem>>
        %dma_start3A_398 = tpu.memref_squeeze %dma_start3A_397 : memref<1x128x128xf32, #tpu.memory_space<vmem>> -> memref<128x128xf32, #tpu.memory_space<vmem>>
        %dma_start3A_399 = arith.constant 0 : i32
        %dma_start3A_400 = tpu.memref_slice %arg5[%add3A_200, %dma_start3A_399] : memref<50x128xi32, #tpu.memory_space<vmem>> -> memref<1x128xi32, #tpu.memory_space<vmem>>
        %dma_start3A_401 = tpu.memref_squeeze %dma_start3A_400 : memref<1x128xi32, #tpu.memory_space<vmem>> -> memref<128xi32, #tpu.memory_space<vmem>>
        %dma_start3A_402 = arith.constant 0 : i32
        %dma_start3A_403 = arith.constant 0 : i32
        %dma_start3A_404 = tpu.memref_slice %arg7[%dma_start3A_402, %dma_start3A_403] : memref<1002x128xf32, #tpu.memory_space<vmem_shared>> -> memref<1002x128xf32, #tpu.memory_space<vmem_shared>>
        %dma_start3A_405 = tpu.memref_slice %arg8[%dma_start3A_394] : memref<5x!tpu.dma_semaphore, #tpu.memory_space<semaphore_mem>> -> memref<1x!tpu.dma_semaphore, #tpu.memory_space<semaphore_mem>>
        %dma_start3A_406 = tpu.memref_squeeze %dma_start3A_405 : memref<1x!tpu.dma_semaphore, #tpu.memory_space<semaphore_mem>> -> memref<!tpu.dma_semaphore, #tpu.memory_space<semaphore_mem>>
        tpu.enqueue_indirect_dma source(%dma_start3A_404 : memref<1002x128xf32, #tpu.memory_space<vmem_shared>>) target(%dma_start3A_398 : memref<128x128xf32, #tpu.memory_space<vmem>>) offsets(%dma_start3A_401 : memref<128xi32, #tpu.memory_space<vmem>>) semaphore(%dma_start3A_406 : memref<!tpu.dma_semaphore, #tpu.memory_space<semaphore_mem>>)
      } else {
      }
      %dma_wait3A_214 = arith.constant 1 : i32
      %dma_wait3A_215 = arith.constant 1 : i32
      %dma_wait3A_216 = arith.constant 0 : i32
      %dma_wait3A_217 = arith.constant 0 : i32
      %dma_wait3A_218 = tpu.memref_slice %arg6[%dma_wait3A_214, %dma_wait3A_216, %dma_wait3A_217] : memref<5x128x128xf32, #tpu.memory_space<vmem>> -> memref<1x128x128xf32, #tpu.memory_space<vmem>>
      %dma_wait3A_219 = tpu.memref_squeeze %dma_wait3A_218 : memref<1x128x128xf32, #tpu.memory_space<vmem>> -> memref<128x128xf32, #tpu.memory_space<vmem>>
      %dma_wait3A_220 = arith.constant 0 : i32
      %dma_wait3A_221 = tpu.memref_slice %arg5[%add3A_198, %dma_wait3A_220] : memref<50x128xi32, #tpu.memory_space<vmem>> -> memref<1x128xi32, #tpu.memory_space<vmem>>
      %dma_wait3A_222 = tpu.memref_squeeze %dma_wait3A_221 : memref<1x128xi32, #tpu.memory_space<vmem>> -> memref<128xi32, #tpu.memory_space<vmem>>
      %dma_wait3A_223 = arith.constant 0 : i32
      %dma_wait3A_224 = arith.constant 0 : i32
      %dma_wait3A_225 = tpu.memref_slice %arg7[%dma_wait3A_223, %dma_wait3A_224] : memref<1002x128xf32, #tpu.memory_space<vmem_shared>> -> memref<1002x128xf32, #tpu.memory_space<vmem_shared>>
      %dma_wait3A_226 = tpu.memref_slice %arg8[%dma_wait3A_215] : memref<5x!tpu.dma_semaphore, #tpu.memory_space<semaphore_mem>> -> memref<1x!tpu.dma_semaphore, #tpu.memory_space<semaphore_mem>>
      %dma_wait3A_227 = tpu.memref_squeeze %dma_wait3A_226 : memref<1x!tpu.dma_semaphore, #tpu.memory_space<semaphore_mem>> -> memref<!tpu.dma_semaphore, #tpu.memory_space<semaphore_mem>>
      tpu.wait_indirect_dma semaphore(%dma_wait3A_227 : memref<!tpu.dma_semaphore, #tpu.memory_space<semaphore_mem>>) src(%dma_wait3A_225 : memref<1002x128xf32, #tpu.memory_space<vmem_shared>>) dst(%dma_wait3A_219 : memref<128x128xf32, #tpu.memory_space<vmem>>)
      %dma_start3A_228 = arith.constant 1 : i32
      %dma_start3A_229 = arith.constant 1 : i32
      %dma_start3A_230 = arith.constant 0 : i32
      %dma_start3A_231 = arith.constant 0 : i32
      %dma_start3A_232 = tpu.memref_slice %arg6[%dma_start3A_228, %dma_start3A_230, %dma_start3A_231] : memref<5x128x128xf32, #tpu.memory_space<vmem>> -> memref<1x128x128xf32, #tpu.memory_space<vmem>>
      %dma_start3A_233 = tpu.memref_squeeze %dma_start3A_232 : memref<1x128x128xf32, #tpu.memory_space<vmem>> -> memref<128x128xf32, #tpu.memory_space<vmem>>
      %dma_start3A_234 = arith.constant 0 : i32
      %dma_start3A_235 = tpu.memref_slice %arg4[%add3A_198, %mul3A_2, %dma_start3A_234] : memref<50x4096x128xf32, #tpu.memory_space<hbm>> -> memref<1x128x128xf32, #tpu.memory_space<hbm>>
      %dma_start3A_236 = tpu.memref_squeeze %dma_start3A_235 : memref<1x128x128xf32, #tpu.memory_space<hbm>> -> memref<128x128xf32, #tpu.memory_space<hbm>>
      %dma_start3A_237 = tpu.memref_slice %arg9[%dma_start3A_229] : memref<5x!tpu.dma_semaphore, #tpu.memory_space<semaphore_mem>> -> memref<1x!tpu.dma_semaphore, #tpu.memory_space<semaphore_mem>>
      %dma_start3A_238 = tpu.memref_squeeze %dma_start3A_237 : memref<1x!tpu.dma_semaphore, #tpu.memory_space<semaphore_mem>> -> memref<!tpu.dma_semaphore, #tpu.memory_space<semaphore_mem>>
      %dma_start3A_239 = arith.constant 0 : i32
      %dma_start3A_240 = tpu.memref_slice %arg4[%add3A_198, %mul3A_2, %dma_start3A_239] : memref<50x4096x128xf32, #tpu.memory_space<hbm>> -> memref<1x128x128xf32, #tpu.memory_space<hbm>>
      %dma_start3A_241 = tpu.memref_squeeze %dma_start3A_240 : memref<1x128x128xf32, #tpu.memory_space<hbm>> -> memref<128x128xf32, #tpu.memory_space<hbm>>
      %dma_start3A_242 = arith.constant 0 : i32
      %dma_start3A_243 = arith.constant 0 : i32
      %dma_start3A_244 = tpu.memref_slice %arg6[%dma_start3A_228, %dma_start3A_242, %dma_start3A_243] : memref<5x128x128xf32, #tpu.memory_space<vmem>> -> memref<1x128x128xf32, #tpu.memory_space<vmem>>
      %dma_start3A_245 = tpu.memref_squeeze %dma_start3A_244 : memref<1x128x128xf32, #tpu.memory_space<vmem>> -> memref<128x128xf32, #tpu.memory_space<vmem>>
      tpu.enqueue_dma source(%dma_start3A_245 : memref<128x128xf32, #tpu.memory_space<vmem>>) target(%dma_start3A_241 : memref<128x128xf32, #tpu.memory_space<hbm>>) target_semaphore(%dma_start3A_238 : memref<!tpu.dma_semaphore, #tpu.memory_space<semaphore_mem>>)
      %add3A_246 = arith.constant 2 : i32
      %add3A_247 = arith.addi %mul3A_150, %add3A_246 : i32
      %add3A_248 = arith.constant 3 : i32
      %add3A_249 = arith.addi %add3A_247, %add3A_248 : i32
      %lt3A_250 = arith.constant 50 : i32
      %lt3A_251 = arith.cmpi slt, %add3A_249, %lt3A_250 : i32
      %ge3A_252 = arith.constant 2 : i32
      %ge3A_253 = arith.cmpi sge, %add3A_247, %ge3A_252 : i32
      %and3A_254 = arith.andi %lt3A_251, %ge3A_253 : i1
      %convert_element_type3A_255 = arith.extui %and3A_254 : i1 to i32
      %cond3A_256 = arith.constant 0 : i32
      %cond3A_257 = arith.cmpi ne, %convert_element_type3A_255, %cond3A_256 : i32
      scf.if %cond3A_257 {
        %sub3A = arith.constant 5 : i32
        %sub3A_393 = arith.subi %add3A_249, %sub3A : i32
        %dma_wait3A_394 = arith.constant 0 : i32
        %dma_wait3A_395 = arith.constant 0 : i32
        %dma_wait3A_396 = arith.constant 0 : i32
        %dma_wait3A_397 = arith.constant 0 : i32
        %dma_wait3A_398 = tpu.memref_slice %arg6[%dma_wait3A_394, %dma_wait3A_396, %dma_wait3A_397] : memref<5x128x128xf32, #tpu.memory_space<vmem>> -> memref<1x128x128xf32, #tpu.memory_space<vmem>>
        %dma_wait3A_399 = tpu.memref_squeeze %dma_wait3A_398 : memref<1x128x128xf32, #tpu.memory_space<vmem>> -> memref<128x128xf32, #tpu.memory_space<vmem>>
        %dma_wait3A_400 = arith.constant 0 : i32
        %dma_wait3A_401 = tpu.memref_slice %arg4[%sub3A_393, %mul3A_2, %dma_wait3A_400] : memref<50x4096x128xf32, #tpu.memory_space<hbm>> -> memref<1x128x128xf32, #tpu.memory_space<hbm>>
        %dma_wait3A_402 = tpu.memref_squeeze %dma_wait3A_401 : memref<1x128x128xf32, #tpu.memory_space<hbm>> -> memref<128x128xf32, #tpu.memory_space<hbm>>
        %dma_wait3A_403 = tpu.memref_slice %arg9[%dma_wait3A_395] : memref<5x!tpu.dma_semaphore, #tpu.memory_space<semaphore_mem>> -> memref<1x!tpu.dma_semaphore, #tpu.memory_space<semaphore_mem>>
        %dma_wait3A_404 = tpu.memref_squeeze %dma_wait3A_403 : memref<1x!tpu.dma_semaphore, #tpu.memory_space<semaphore_mem>> -> memref<!tpu.dma_semaphore, #tpu.memory_space<semaphore_mem>>
        %dma_wait3A_405 = arith.constant 0 : i32
        %dma_wait3A_406 = tpu.memref_slice %arg4[%sub3A_393, %mul3A_2, %dma_wait3A_405] : memref<50x4096x128xf32, #tpu.memory_space<hbm>> -> memref<1x128x128xf32, #tpu.memory_space<hbm>>
        %dma_wait3A_407 = tpu.memref_squeeze %dma_wait3A_406 : memref<1x128x128xf32, #tpu.memory_space<hbm>> -> memref<128x128xf32, #tpu.memory_space<hbm>>
        %dma_wait3A_408 = arith.constant 0 : i32
        %dma_wait3A_409 = arith.constant 0 : i32
        %dma_wait3A_410 = tpu.memref_slice %arg6[%dma_wait3A_394, %dma_wait3A_408, %dma_wait3A_409] : memref<5x128x128xf32, #tpu.memory_space<vmem>> -> memref<1x128x128xf32, #tpu.memory_space<vmem>>
        %dma_wait3A_411 = tpu.memref_squeeze %dma_wait3A_410 : memref<1x128x128xf32, #tpu.memory_space<vmem>> -> memref<128x128xf32, #tpu.memory_space<vmem>>
        tpu.wait_dma2 semaphore(%dma_wait3A_404 : memref<!tpu.dma_semaphore, #tpu.memory_space<semaphore_mem>>) src(%dma_wait3A_411 : memref<128x128xf32, #tpu.memory_space<vmem>>) dst(%dma_wait3A_407 : memref<128x128xf32, #tpu.memory_space<hbm>>)
      } else {
      }
      %lt3A_258 = arith.constant 50 : i32
      %lt3A_259 = arith.cmpi slt, %add3A_249, %lt3A_258 : i32
      %convert_element_type3A_260 = arith.extui %lt3A_259 : i1 to i32
      %cond3A_261 = arith.constant 0 : i32
      %cond3A_262 = arith.cmpi ne, %convert_element_type3A_260, %cond3A_261 : i32
      scf.if %cond3A_262 {
        %dma_start3A_393 = arith.constant 0 : i32
        %dma_start3A_394 = arith.constant 0 : i32
        %dma_start3A_395 = arith.constant 0 : i32
        %dma_start3A_396 = arith.constant 0 : i32
        %dma_start3A_397 = tpu.memref_slice %arg6[%dma_start3A_393, %dma_start3A_395, %dma_start3A_396] : memref<5x128x128xf32, #tpu.memory_space<vmem>> -> memref<1x128x128xf32, #tpu.memory_space<vmem>>
        %dma_start3A_398 = tpu.memref_squeeze %dma_start3A_397 : memref<1x128x128xf32, #tpu.memory_space<vmem>> -> memref<128x128xf32, #tpu.memory_space<vmem>>
        %dma_start3A_399 = arith.constant 0 : i32
        %dma_start3A_400 = tpu.memref_slice %arg5[%add3A_249, %dma_start3A_399] : memref<50x128xi32, #tpu.memory_space<vmem>> -> memref<1x128xi32, #tpu.memory_space<vmem>>
        %dma_start3A_401 = tpu.memref_squeeze %dma_start3A_400 : memref<1x128xi32, #tpu.memory_space<vmem>> -> memref<128xi32, #tpu.memory_space<vmem>>
        %dma_start3A_402 = arith.constant 0 : i32
        %dma_start3A_403 = arith.constant 0 : i32
        %dma_start3A_404 = tpu.memref_slice %arg7[%dma_start3A_402, %dma_start3A_403] : memref<1002x128xf32, #tpu.memory_space<vmem_shared>> -> memref<1002x128xf32, #tpu.memory_space<vmem_shared>>
        %dma_start3A_405 = tpu.memref_slice %arg8[%dma_start3A_394] : memref<5x!tpu.dma_semaphore, #tpu.memory_space<semaphore_mem>> -> memref<1x!tpu.dma_semaphore, #tpu.memory_space<semaphore_mem>>
        %dma_start3A_406 = tpu.memref_squeeze %dma_start3A_405 : memref<1x!tpu.dma_semaphore, #tpu.memory_space<semaphore_mem>> -> memref<!tpu.dma_semaphore, #tpu.memory_space<semaphore_mem>>
        tpu.enqueue_indirect_dma source(%dma_start3A_404 : memref<1002x128xf32, #tpu.memory_space<vmem_shared>>) target(%dma_start3A_398 : memref<128x128xf32, #tpu.memory_space<vmem>>) offsets(%dma_start3A_401 : memref<128xi32, #tpu.memory_space<vmem>>) semaphore(%dma_start3A_406 : memref<!tpu.dma_semaphore, #tpu.memory_space<semaphore_mem>>)
      } else {
      }
      %dma_wait3A_263 = arith.constant 2 : i32
      %dma_wait3A_264 = arith.constant 2 : i32
      %dma_wait3A_265 = arith.constant 0 : i32
      %dma_wait3A_266 = arith.constant 0 : i32
      %dma_wait3A_267 = tpu.memref_slice %arg6[%dma_wait3A_263, %dma_wait3A_265, %dma_wait3A_266] : memref<5x128x128xf32, #tpu.memory_space<vmem>> -> memref<1x128x128xf32, #tpu.memory_space<vmem>>
      %dma_wait3A_268 = tpu.memref_squeeze %dma_wait3A_267 : memref<1x128x128xf32, #tpu.memory_space<vmem>> -> memref<128x128xf32, #tpu.memory_space<vmem>>
      %dma_wait3A_269 = arith.constant 0 : i32
      %dma_wait3A_270 = tpu.memref_slice %arg5[%add3A_247, %dma_wait3A_269] : memref<50x128xi32, #tpu.memory_space<vmem>> -> memref<1x128xi32, #tpu.memory_space<vmem>>
      %dma_wait3A_271 = tpu.memref_squeeze %dma_wait3A_270 : memref<1x128xi32, #tpu.memory_space<vmem>> -> memref<128xi32, #tpu.memory_space<vmem>>
      %dma_wait3A_272 = arith.constant 0 : i32
      %dma_wait3A_273 = arith.constant 0 : i32
      %dma_wait3A_274 = tpu.memref_slice %arg7[%dma_wait3A_272, %dma_wait3A_273] : memref<1002x128xf32, #tpu.memory_space<vmem_shared>> -> memref<1002x128xf32, #tpu.memory_space<vmem_shared>>
      %dma_wait3A_275 = tpu.memref_slice %arg8[%dma_wait3A_264] : memref<5x!tpu.dma_semaphore, #tpu.memory_space<semaphore_mem>> -> memref<1x!tpu.dma_semaphore, #tpu.memory_space<semaphore_mem>>
      %dma_wait3A_276 = tpu.memref_squeeze %dma_wait3A_275 : memref<1x!tpu.dma_semaphore, #tpu.memory_space<semaphore_mem>> -> memref<!tpu.dma_semaphore, #tpu.memory_space<semaphore_mem>>
      tpu.wait_indirect_dma semaphore(%dma_wait3A_276 : memref<!tpu.dma_semaphore, #tpu.memory_space<semaphore_mem>>) src(%dma_wait3A_274 : memref<1002x128xf32, #tpu.memory_space<vmem_shared>>) dst(%dma_wait3A_268 : memref<128x128xf32, #tpu.memory_space<vmem>>)
      %dma_start3A_277 = arith.constant 2 : i32
      %dma_start3A_278 = arith.constant 2 : i32
      %dma_start3A_279 = arith.constant 0 : i32
      %dma_start3A_280 = arith.constant 0 : i32
      %dma_start3A_281 = tpu.memref_slice %arg6[%dma_start3A_277, %dma_start3A_279, %dma_start3A_280] : memref<5x128x128xf32, #tpu.memory_space<vmem>> -> memref<1x128x128xf32, #tpu.memory_space<vmem>>
      %dma_start3A_282 = tpu.memref_squeeze %dma_start3A_281 : memref<1x128x128xf32, #tpu.memory_space<vmem>> -> memref<128x128xf32, #tpu.memory_space<vmem>>
      %dma_start3A_283 = arith.constant 0 : i32
      %dma_start3A_284 = tpu.memref_slice %arg4[%add3A_247, %mul3A_2, %dma_start3A_283] : memref<50x4096x128xf32, #tpu.memory_space<hbm>> -> memref<1x128x128xf32, #tpu.memory_space<hbm>>
      %dma_start3A_285 = tpu.memref_squeeze %dma_start3A_284 : memref<1x128x128xf32, #tpu.memory_space<hbm>> -> memref<128x128xf32, #tpu.memory_space<hbm>>
      %dma_start3A_286 = tpu.memref_slice %arg9[%dma_start3A_278] : memref<5x!tpu.dma_semaphore, #tpu.memory_space<semaphore_mem>> -> memref<1x!tpu.dma_semaphore, #tpu.memory_space<semaphore_mem>>
      %dma_start3A_287 = tpu.memref_squeeze %dma_start3A_286 : memref<1x!tpu.dma_semaphore, #tpu.memory_space<semaphore_mem>> -> memref<!tpu.dma_semaphore, #tpu.memory_space<semaphore_mem>>
      %dma_start3A_288 = arith.constant 0 : i32
      %dma_start3A_289 = tpu.memref_slice %arg4[%add3A_247, %mul3A_2, %dma_start3A_288] : memref<50x4096x128xf32, #tpu.memory_space<hbm>> -> memref<1x128x128xf32, #tpu.memory_space<hbm>>
      %dma_start3A_290 = tpu.memref_squeeze %dma_start3A_289 : memref<1x128x128xf32, #tpu.memory_space<hbm>> -> memref<128x128xf32, #tpu.memory_space<hbm>>
      %dma_start3A_291 = arith.constant 0 : i32
      %dma_start3A_292 = arith.constant 0 : i32
      %dma_start3A_293 = tpu.memref_slice %arg6[%dma_start3A_277, %dma_start3A_291, %dma_start3A_292] : memref<5x128x128xf32, #tpu.memory_space<vmem>> -> memref<1x128x128xf32, #tpu.memory_space<vmem>>
      %dma_start3A_294 = tpu.memref_squeeze %dma_start3A_293 : memref<1x128x128xf32, #tpu.memory_space<vmem>> -> memref<128x128xf32, #tpu.memory_space<vmem>>
      tpu.enqueue_dma source(%dma_start3A_294 : memref<128x128xf32, #tpu.memory_space<vmem>>) target(%dma_start3A_290 : memref<128x128xf32, #tpu.memory_space<hbm>>) target_semaphore(%dma_start3A_287 : memref<!tpu.dma_semaphore, #tpu.memory_space<semaphore_mem>>)
      %add3A_295 = arith.constant 3 : i32
      %add3A_296 = arith.addi %mul3A_150, %add3A_295 : i32
      %add3A_297 = arith.constant 3 : i32
      %add3A_298 = arith.addi %add3A_296, %add3A_297 : i32
      %lt3A_299 = arith.constant 50 : i32
      %lt3A_300 = arith.cmpi slt, %add3A_298, %lt3A_299 : i32
      %ge3A_301 = arith.constant 2 : i32
      %ge3A_302 = arith.cmpi sge, %add3A_296, %ge3A_301 : i32
      %and3A_303 = arith.andi %lt3A_300, %ge3A_302 : i1
      %convert_element_type3A_304 = arith.extui %and3A_303 : i1 to i32
      %cond3A_305 = arith.constant 0 : i32
      %cond3A_306 = arith.cmpi ne, %convert_element_type3A_304, %cond3A_305 : i32
      scf.if %cond3A_306 {
        %sub3A = arith.constant 5 : i32
        %sub3A_393 = arith.subi %add3A_298, %sub3A : i32
        %dma_wait3A_394 = arith.constant 1 : i32
        %dma_wait3A_395 = arith.constant 1 : i32
        %dma_wait3A_396 = arith.constant 0 : i32
        %dma_wait3A_397 = arith.constant 0 : i32
        %dma_wait3A_398 = tpu.memref_slice %arg6[%dma_wait3A_394, %dma_wait3A_396, %dma_wait3A_397] : memref<5x128x128xf32, #tpu.memory_space<vmem>> -> memref<1x128x128xf32, #tpu.memory_space<vmem>>
        %dma_wait3A_399 = tpu.memref_squeeze %dma_wait3A_398 : memref<1x128x128xf32, #tpu.memory_space<vmem>> -> memref<128x128xf32, #tpu.memory_space<vmem>>
        %dma_wait3A_400 = arith.constant 0 : i32
        %dma_wait3A_401 = tpu.memref_slice %arg4[%sub3A_393, %mul3A_2, %dma_wait3A_400] : memref<50x4096x128xf32, #tpu.memory_space<hbm>> -> memref<1x128x128xf32, #tpu.memory_space<hbm>>
        %dma_wait3A_402 = tpu.memref_squeeze %dma_wait3A_401 : memref<1x128x128xf32, #tpu.memory_space<hbm>> -> memref<128x128xf32, #tpu.memory_space<hbm>>
        %dma_wait3A_403 = tpu.memref_slice %arg9[%dma_wait3A_395] : memref<5x!tpu.dma_semaphore, #tpu.memory_space<semaphore_mem>> -> memref<1x!tpu.dma_semaphore, #tpu.memory_space<semaphore_mem>>
        %dma_wait3A_404 = tpu.memref_squeeze %dma_wait3A_403 : memref<1x!tpu.dma_semaphore, #tpu.memory_space<semaphore_mem>> -> memref<!tpu.dma_semaphore, #tpu.memory_space<semaphore_mem>>
        %dma_wait3A_405 = arith.constant 0 : i32
        %dma_wait3A_406 = tpu.memref_slice %arg4[%sub3A_393, %mul3A_2, %dma_wait3A_405] : memref<50x4096x128xf32, #tpu.memory_space<hbm>> -> memref<1x128x128xf32, #tpu.memory_space<hbm>>
        %dma_wait3A_407 = tpu.memref_squeeze %dma_wait3A_406 : memref<1x128x128xf32, #tpu.memory_space<hbm>> -> memref<128x128xf32, #tpu.memory_space<hbm>>
        %dma_wait3A_408 = arith.constant 0 : i32
        %dma_wait3A_409 = arith.constant 0 : i32
        %dma_wait3A_410 = tpu.memref_slice %arg6[%dma_wait3A_394, %dma_wait3A_408, %dma_wait3A_409] : memref<5x128x128xf32, #tpu.memory_space<vmem>> -> memref<1x128x128xf32, #tpu.memory_space<vmem>>
        %dma_wait3A_411 = tpu.memref_squeeze %dma_wait3A_410 : memref<1x128x128xf32, #tpu.memory_space<vmem>> -> memref<128x128xf32, #tpu.memory_space<vmem>>
        tpu.wait_dma2 semaphore(%dma_wait3A_404 : memref<!tpu.dma_semaphore, #tpu.memory_space<semaphore_mem>>) src(%dma_wait3A_411 : memref<128x128xf32, #tpu.memory_space<vmem>>) dst(%dma_wait3A_407 : memref<128x128xf32, #tpu.memory_space<hbm>>)
      } else {
      }
      %lt3A_307 = arith.constant 50 : i32
      %lt3A_308 = arith.cmpi slt, %add3A_298, %lt3A_307 : i32
      %convert_element_type3A_309 = arith.extui %lt3A_308 : i1 to i32
      %cond3A_310 = arith.constant 0 : i32
      %cond3A_311 = arith.cmpi ne, %convert_element_type3A_309, %cond3A_310 : i32
      scf.if %cond3A_311 {
        %dma_start3A_393 = arith.constant 1 : i32
        %dma_start3A_394 = arith.constant 1 : i32
        %dma_start3A_395 = arith.constant 0 : i32
        %dma_start3A_396 = arith.constant 0 : i32
        %dma_start3A_397 = tpu.memref_slice %arg6[%dma_start3A_393, %dma_start3A_395, %dma_start3A_396] : memref<5x128x128xf32, #tpu.memory_space<vmem>> -> memref<1x128x128xf32, #tpu.memory_space<vmem>>
        %dma_start3A_398 = tpu.memref_squeeze %dma_start3A_397 : memref<1x128x128xf32, #tpu.memory_space<vmem>> -> memref<128x128xf32, #tpu.memory_space<vmem>>
        %dma_start3A_399 = arith.constant 0 : i32
        %dma_start3A_400 = tpu.memref_slice %arg5[%add3A_298, %dma_start3A_399] : memref<50x128xi32, #tpu.memory_space<vmem>> -> memref<1x128xi32, #tpu.memory_space<vmem>>
        %dma_start3A_401 = tpu.memref_squeeze %dma_start3A_400 : memref<1x128xi32, #tpu.memory_space<vmem>> -> memref<128xi32, #tpu.memory_space<vmem>>
        %dma_start3A_402 = arith.constant 0 : i32
        %dma_start3A_403 = arith.constant 0 : i32
        %dma_start3A_404 = tpu.memref_slice %arg7[%dma_start3A_402, %dma_start3A_403] : memref<1002x128xf32, #tpu.memory_space<vmem_shared>> -> memref<1002x128xf32, #tpu.memory_space<vmem_shared>>
        %dma_start3A_405 = tpu.memref_slice %arg8[%dma_start3A_394] : memref<5x!tpu.dma_semaphore, #tpu.memory_space<semaphore_mem>> -> memref<1x!tpu.dma_semaphore, #tpu.memory_space<semaphore_mem>>
        %dma_start3A_406 = tpu.memref_squeeze %dma_start3A_405 : memref<1x!tpu.dma_semaphore, #tpu.memory_space<semaphore_mem>> -> memref<!tpu.dma_semaphore, #tpu.memory_space<semaphore_mem>>
        tpu.enqueue_indirect_dma source(%dma_start3A_404 : memref<1002x128xf32, #tpu.memory_space<vmem_shared>>) target(%dma_start3A_398 : memref<128x128xf32, #tpu.memory_space<vmem>>) offsets(%dma_start3A_401 : memref<128xi32, #tpu.memory_space<vmem>>) semaphore(%dma_start3A_406 : memref<!tpu.dma_semaphore, #tpu.memory_space<semaphore_mem>>)
      } else {
      }
      %dma_wait3A_312 = arith.constant 3 : i32
      %dma_wait3A_313 = arith.constant 3 : i32
      %dma_wait3A_314 = arith.constant 0 : i32
      %dma_wait3A_315 = arith.constant 0 : i32
      %dma_wait3A_316 = tpu.memref_slice %arg6[%dma_wait3A_312, %dma_wait3A_314, %dma_wait3A_315] : memref<5x128x128xf32, #tpu.memory_space<vmem>> -> memref<1x128x128xf32, #tpu.memory_space<vmem>>
      %dma_wait3A_317 = tpu.memref_squeeze %dma_wait3A_316 : memref<1x128x128xf32, #tpu.memory_space<vmem>> -> memref<128x128xf32, #tpu.memory_space<vmem>>
      %dma_wait3A_318 = arith.constant 0 : i32
      %dma_wait3A_319 = tpu.memref_slice %arg5[%add3A_296, %dma_wait3A_318] : memref<50x128xi32, #tpu.memory_space<vmem>> -> memref<1x128xi32, #tpu.memory_space<vmem>>
      %dma_wait3A_320 = tpu.memref_squeeze %dma_wait3A_319 : memref<1x128xi32, #tpu.memory_space<vmem>> -> memref<128xi32, #tpu.memory_space<vmem>>
      %dma_wait3A_321 = arith.constant 0 : i32
      %dma_wait3A_322 = arith.constant 0 : i32
      %dma_wait3A_323 = tpu.memref_slice %arg7[%dma_wait3A_321, %dma_wait3A_322] : memref<1002x128xf32, #tpu.memory_space<vmem_shared>> -> memref<1002x128xf32, #tpu.memory_space<vmem_shared>>
      %dma_wait3A_324 = tpu.memref_slice %arg8[%dma_wait3A_313] : memref<5x!tpu.dma_semaphore, #tpu.memory_space<semaphore_mem>> -> memref<1x!tpu.dma_semaphore, #tpu.memory_space<semaphore_mem>>
      %dma_wait3A_325 = tpu.memref_squeeze %dma_wait3A_324 : memref<1x!tpu.dma_semaphore, #tpu.memory_space<semaphore_mem>> -> memref<!tpu.dma_semaphore, #tpu.memory_space<semaphore_mem>>
      tpu.wait_indirect_dma semaphore(%dma_wait3A_325 : memref<!tpu.dma_semaphore, #tpu.memory_space<semaphore_mem>>) src(%dma_wait3A_323 : memref<1002x128xf32, #tpu.memory_space<vmem_shared>>) dst(%dma_wait3A_317 : memref<128x128xf32, #tpu.memory_space<vmem>>)
      %dma_start3A_326 = arith.constant 3 : i32
      %dma_start3A_327 = arith.constant 3 : i32
      %dma_start3A_328 = arith.constant 0 : i32
      %dma_start3A_329 = arith.constant 0 : i32
      %dma_start3A_330 = tpu.memref_slice %arg6[%dma_start3A_326, %dma_start3A_328, %dma_start3A_329] : memref<5x128x128xf32, #tpu.memory_space<vmem>> -> memref<1x128x128xf32, #tpu.memory_space<vmem>>
      %dma_start3A_331 = tpu.memref_squeeze %dma_start3A_330 : memref<1x128x128xf32, #tpu.memory_space<vmem>> -> memref<128x128xf32, #tpu.memory_space<vmem>>
      %dma_start3A_332 = arith.constant 0 : i32
      %dma_start3A_333 = tpu.memref_slice %arg4[%add3A_296, %mul3A_2, %dma_start3A_332] : memref<50x4096x128xf32, #tpu.memory_space<hbm>> -> memref<1x128x128xf32, #tpu.memory_space<hbm>>
      %dma_start3A_334 = tpu.memref_squeeze %dma_start3A_333 : memref<1x128x128xf32, #tpu.memory_space<hbm>> -> memref<128x128xf32, #tpu.memory_space<hbm>>
      %dma_start3A_335 = tpu.memref_slice %arg9[%dma_start3A_327] : memref<5x!tpu.dma_semaphore, #tpu.memory_space<semaphore_mem>> -> memref<1x!tpu.dma_semaphore, #tpu.memory_space<semaphore_mem>>
      %dma_start3A_336 = tpu.memref_squeeze %dma_start3A_335 : memref<1x!tpu.dma_semaphore, #tpu.memory_space<semaphore_mem>> -> memref<!tpu.dma_semaphore, #tpu.memory_space<semaphore_mem>>
      %dma_start3A_337 = arith.constant 0 : i32
      %dma_start3A_338 = tpu.memref_slice %arg4[%add3A_296, %mul3A_2, %dma_start3A_337] : memref<50x4096x128xf32, #tpu.memory_space<hbm>> -> memref<1x128x128xf32, #tpu.memory_space<hbm>>
      %dma_start3A_339 = tpu.memref_squeeze %dma_start3A_338 : memref<1x128x128xf32, #tpu.memory_space<hbm>> -> memref<128x128xf32, #tpu.memory_space<hbm>>
      %dma_start3A_340 = arith.constant 0 : i32
      %dma_start3A_341 = arith.constant 0 : i32
      %dma_start3A_342 = tpu.memref_slice %arg6[%dma_start3A_326, %dma_start3A_340, %dma_start3A_341] : memref<5x128x128xf32, #tpu.memory_space<vmem>> -> memref<1x128x128xf32, #tpu.memory_space<vmem>>
      %dma_start3A_343 = tpu.memref_squeeze %dma_start3A_342 : memref<1x128x128xf32, #tpu.memory_space<vmem>> -> memref<128x128xf32, #tpu.memory_space<vmem>>
      tpu.enqueue_dma source(%dma_start3A_343 : memref<128x128xf32, #tpu.memory_space<vmem>>) target(%dma_start3A_339 : memref<128x128xf32, #tpu.memory_space<hbm>>) target_semaphore(%dma_start3A_336 : memref<!tpu.dma_semaphore, #tpu.memory_space<semaphore_mem>>)
      %add3A_344 = arith.constant 4 : i32
      %add3A_345 = arith.addi %mul3A_150, %add3A_344 : i32
      %add3A_346 = arith.constant 3 : i32
      %add3A_347 = arith.addi %add3A_345, %add3A_346 : i32
      %lt3A_348 = arith.constant 50 : i32
      %lt3A_349 = arith.cmpi slt, %add3A_347, %lt3A_348 : i32
      %ge3A_350 = arith.constant 2 : i32
      %ge3A_351 = arith.cmpi sge, %add3A_345, %ge3A_350 : i32
      %and3A_352 = arith.andi %lt3A_349, %ge3A_351 : i1
      %convert_element_type3A_353 = arith.extui %and3A_352 : i1 to i32
      %cond3A_354 = arith.constant 0 : i32
      %cond3A_355 = arith.cmpi ne, %convert_element_type3A_353, %cond3A_354 : i32
      scf.if %cond3A_355 {
        %sub3A = arith.constant 5 : i32
        %sub3A_393 = arith.subi %add3A_347, %sub3A : i32
        %dma_wait3A_394 = arith.constant 2 : i32
        %dma_wait3A_395 = arith.constant 2 : i32
        %dma_wait3A_396 = arith.constant 0 : i32
        %dma_wait3A_397 = arith.constant 0 : i32
        %dma_wait3A_398 = tpu.memref_slice %arg6[%dma_wait3A_394, %dma_wait3A_396, %dma_wait3A_397] : memref<5x128x128xf32, #tpu.memory_space<vmem>> -> memref<1x128x128xf32, #tpu.memory_space<vmem>>
        %dma_wait3A_399 = tpu.memref_squeeze %dma_wait3A_398 : memref<1x128x128xf32, #tpu.memory_space<vmem>> -> memref<128x128xf32, #tpu.memory_space<vmem>>
        %dma_wait3A_400 = arith.constant 0 : i32
        %dma_wait3A_401 = tpu.memref_slice %arg4[%sub3A_393, %mul3A_2, %dma_wait3A_400] : memref<50x4096x128xf32, #tpu.memory_space<hbm>> -> memref<1x128x128xf32, #tpu.memory_space<hbm>>
        %dma_wait3A_402 = tpu.memref_squeeze %dma_wait3A_401 : memref<1x128x128xf32, #tpu.memory_space<hbm>> -> memref<128x128xf32, #tpu.memory_space<hbm>>
        %dma_wait3A_403 = tpu.memref_slice %arg9[%dma_wait3A_395] : memref<5x!tpu.dma_semaphore, #tpu.memory_space<semaphore_mem>> -> memref<1x!tpu.dma_semaphore, #tpu.memory_space<semaphore_mem>>
        %dma_wait3A_404 = tpu.memref_squeeze %dma_wait3A_403 : memref<1x!tpu.dma_semaphore, #tpu.memory_space<semaphore_mem>> -> memref<!tpu.dma_semaphore, #tpu.memory_space<semaphore_mem>>
        %dma_wait3A_405 = arith.constant 0 : i32
        %dma_wait3A_406 = tpu.memref_slice %arg4[%sub3A_393, %mul3A_2, %dma_wait3A_405] : memref<50x4096x128xf32, #tpu.memory_space<hbm>> -> memref<1x128x128xf32, #tpu.memory_space<hbm>>
        %dma_wait3A_407 = tpu.memref_squeeze %dma_wait3A_406 : memref<1x128x128xf32, #tpu.memory_space<hbm>> -> memref<128x128xf32, #tpu.memory_space<hbm>>
        %dma_wait3A_408 = arith.constant 0 : i32
        %dma_wait3A_409 = arith.constant 0 : i32
        %dma_wait3A_410 = tpu.memref_slice %arg6[%dma_wait3A_394, %dma_wait3A_408, %dma_wait3A_409] : memref<5x128x128xf32, #tpu.memory_space<vmem>> -> memref<1x128x128xf32, #tpu.memory_space<vmem>>
        %dma_wait3A_411 = tpu.memref_squeeze %dma_wait3A_410 : memref<1x128x128xf32, #tpu.memory_space<vmem>> -> memref<128x128xf32, #tpu.memory_space<vmem>>
        tpu.wait_dma2 semaphore(%dma_wait3A_404 : memref<!tpu.dma_semaphore, #tpu.memory_space<semaphore_mem>>) src(%dma_wait3A_411 : memref<128x128xf32, #tpu.memory_space<vmem>>) dst(%dma_wait3A_407 : memref<128x128xf32, #tpu.memory_space<hbm>>)
      } else {
      }
      %lt3A_356 = arith.constant 50 : i32
      %lt3A_357 = arith.cmpi slt, %add3A_347, %lt3A_356 : i32
      %convert_element_type3A_358 = arith.extui %lt3A_357 : i1 to i32
      %cond3A_359 = arith.constant 0 : i32
      %cond3A_360 = arith.cmpi ne, %convert_element_type3A_358, %cond3A_359 : i32
      scf.if %cond3A_360 {
        %dma_start3A_393 = arith.constant 2 : i32
        %dma_start3A_394 = arith.constant 2 : i32
        %dma_start3A_395 = arith.constant 0 : i32
        %dma_start3A_396 = arith.constant 0 : i32
        %dma_start3A_397 = tpu.memref_slice %arg6[%dma_start3A_393, %dma_start3A_395, %dma_start3A_396] : memref<5x128x128xf32, #tpu.memory_space<vmem>> -> memref<1x128x128xf32, #tpu.memory_space<vmem>>
        %dma_start3A_398 = tpu.memref_squeeze %dma_start3A_397 : memref<1x128x128xf32, #tpu.memory_space<vmem>> -> memref<128x128xf32, #tpu.memory_space<vmem>>
        %dma_start3A_399 = arith.constant 0 : i32
        %dma_start3A_400 = tpu.memref_slice %arg5[%add3A_347, %dma_start3A_399] : memref<50x128xi32, #tpu.memory_space<vmem>> -> memref<1x128xi32, #tpu.memory_space<vmem>>
        %dma_start3A_401 = tpu.memref_squeeze %dma_start3A_400 : memref<1x128xi32, #tpu.memory_space<vmem>> -> memref<128xi32, #tpu.memory_space<vmem>>
        %dma_start3A_402 = arith.constant 0 : i32
        %dma_start3A_403 = arith.constant 0 : i32
        %dma_start3A_404 = tpu.memref_slice %arg7[%dma_start3A_402, %dma_start3A_403] : memref<1002x128xf32, #tpu.memory_space<vmem_shared>> -> memref<1002x128xf32, #tpu.memory_space<vmem_shared>>
        %dma_start3A_405 = tpu.memref_slice %arg8[%dma_start3A_394] : memref<5x!tpu.dma_semaphore, #tpu.memory_space<semaphore_mem>> -> memref<1x!tpu.dma_semaphore, #tpu.memory_space<semaphore_mem>>
        %dma_start3A_406 = tpu.memref_squeeze %dma_start3A_405 : memref<1x!tpu.dma_semaphore, #tpu.memory_space<semaphore_mem>> -> memref<!tpu.dma_semaphore, #tpu.memory_space<semaphore_mem>>
        tpu.enqueue_indirect_dma source(%dma_start3A_404 : memref<1002x128xf32, #tpu.memory_space<vmem_shared>>) target(%dma_start3A_398 : memref<128x128xf32, #tpu.memory_space<vmem>>) offsets(%dma_start3A_401 : memref<128xi32, #tpu.memory_space<vmem>>) semaphore(%dma_start3A_406 : memref<!tpu.dma_semaphore, #tpu.memory_space<semaphore_mem>>)
      } else {
      }
      %dma_wait3A_361 = arith.constant 4 : i32
      %dma_wait3A_362 = arith.constant 4 : i32
      %dma_wait3A_363 = arith.constant 0 : i32
      %dma_wait3A_364 = arith.constant 0 : i32
      %dma_wait3A_365 = tpu.memref_slice %arg6[%dma_wait3A_361, %dma_wait3A_363, %dma_wait3A_364] : memref<5x128x128xf32, #tpu.memory_space<vmem>> -> memref<1x128x128xf32, #tpu.memory_space<vmem>>
      %dma_wait3A_366 = tpu.memref_squeeze %dma_wait3A_365 : memref<1x128x128xf32, #tpu.memory_space<vmem>> -> memref<128x128xf32, #tpu.memory_space<vmem>>
      %dma_wait3A_367 = arith.constant 0 : i32
      %dma_wait3A_368 = tpu.memref_slice %arg5[%add3A_345, %dma_wait3A_367] : memref<50x128xi32, #tpu.memory_space<vmem>> -> memref<1x128xi32, #tpu.memory_space<vmem>>
      %dma_wait3A_369 = tpu.memref_squeeze %dma_wait3A_368 : memref<1x128xi32, #tpu.memory_space<vmem>> -> memref<128xi32, #tpu.memory_space<vmem>>
      %dma_wait3A_370 = arith.constant 0 : i32
      %dma_wait3A_371 = arith.constant 0 : i32
      %dma_wait3A_372 = tpu.memref_slice %arg7[%dma_wait3A_370, %dma_wait3A_371] : memref<1002x128xf32, #tpu.memory_space<vmem_shared>> -> memref<1002x128xf32, #tpu.memory_space<vmem_shared>>
      %dma_wait3A_373 = tpu.memref_slice %arg8[%dma_wait3A_362] : memref<5x!tpu.dma_semaphore, #tpu.memory_space<semaphore_mem>> -> memref<1x!tpu.dma_semaphore, #tpu.memory_space<semaphore_mem>>
      %dma_wait3A_374 = tpu.memref_squeeze %dma_wait3A_373 : memref<1x!tpu.dma_semaphore, #tpu.memory_space<semaphore_mem>> -> memref<!tpu.dma_semaphore, #tpu.memory_space<semaphore_mem>>
      tpu.wait_indirect_dma semaphore(%dma_wait3A_374 : memref<!tpu.dma_semaphore, #tpu.memory_space<semaphore_mem>>) src(%dma_wait3A_372 : memref<1002x128xf32, #tpu.memory_space<vmem_shared>>) dst(%dma_wait3A_366 : memref<128x128xf32, #tpu.memory_space<vmem>>)
      %dma_start3A_375 = arith.constant 4 : i32
      %dma_start3A_376 = arith.constant 4 : i32
      %dma_start3A_377 = arith.constant 0 : i32
      %dma_start3A_378 = arith.constant 0 : i32
      %dma_start3A_379 = tpu.memref_slice %arg6[%dma_start3A_375, %dma_start3A_377, %dma_start3A_378] : memref<5x128x128xf32, #tpu.memory_space<vmem>> -> memref<1x128x128xf32, #tpu.memory_space<vmem>>
      %dma_start3A_380 = tpu.memref_squeeze %dma_start3A_379 : memref<1x128x128xf32, #tpu.memory_space<vmem>> -> memref<128x128xf32, #tpu.memory_space<vmem>>
      %dma_start3A_381 = arith.constant 0 : i32
      %dma_start3A_382 = tpu.memref_slice %arg4[%add3A_345, %mul3A_2, %dma_start3A_381] : memref<50x4096x128xf32, #tpu.memory_space<hbm>> -> memref<1x128x128xf32, #tpu.memory_space<hbm>>
      %dma_start3A_383 = tpu.memref_squeeze %dma_start3A_382 : memref<1x128x128xf32, #tpu.memory_space<hbm>> -> memref<128x128xf32, #tpu.memory_space<hbm>>
      %dma_start3A_384 = tpu.memref_slice %arg9[%dma_start3A_376] : memref<5x!tpu.dma_semaphore, #tpu.memory_space<semaphore_mem>> -> memref<1x!tpu.dma_semaphore, #tpu.memory_space<semaphore_mem>>
      %dma_start3A_385 = tpu.memref_squeeze %dma_start3A_384 : memref<1x!tpu.dma_semaphore, #tpu.memory_space<semaphore_mem>> -> memref<!tpu.dma_semaphore, #tpu.memory_space<semaphore_mem>>
      %dma_start3A_386 = arith.constant 0 : i32
      %dma_start3A_387 = tpu.memref_slice %arg4[%add3A_345, %mul3A_2, %dma_start3A_386] : memref<50x4096x128xf32, #tpu.memory_space<hbm>> -> memref<1x128x128xf32, #tpu.memory_space<hbm>>
      %dma_start3A_388 = tpu.memref_squeeze %dma_start3A_387 : memref<1x128x128xf32, #tpu.memory_space<hbm>> -> memref<128x128xf32, #tpu.memory_space<hbm>>
      %dma_start3A_389 = arith.constant 0 : i32
      %dma_start3A_390 = arith.constant 0 : i32
      %dma_start3A_391 = tpu.memref_slice %arg6[%dma_start3A_375, %dma_start3A_389, %dma_start3A_390] : memref<5x128x128xf32, #tpu.memory_space<vmem>> -> memref<1x128x128xf32, #tpu.memory_space<vmem>>
      %dma_start3A_392 = tpu.memref_squeeze %dma_start3A_391 : memref<1x128x128xf32, #tpu.memory_space<vmem>> -> memref<128x128xf32, #tpu.memory_space<vmem>>
      tpu.enqueue_dma source(%dma_start3A_392 : memref<128x128xf32, #tpu.memory_space<vmem>>) target(%dma_start3A_388 : memref<128x128xf32, #tpu.memory_space<hbm>>) target_semaphore(%dma_start3A_385 : memref<!tpu.dma_semaphore, #tpu.memory_space<semaphore_mem>>)
    }
    %scan3A_53 = arith.constant 10 : i32
    %dma_wait3A = arith.constant 0 : i32
    %dma_wait3A_54 = arith.constant 45 : i32
    %dma_wait3A_55 = arith.constant 0 : i32
    %dma_wait3A_56 = arith.constant 0 : i32
    %dma_wait3A_57 = arith.constant 0 : i32
    %dma_wait3A_58 = tpu.memref_slice %arg6[%dma_wait3A, %dma_wait3A_56, %dma_wait3A_57] : memref<5x128x128xf32, #tpu.memory_space<vmem>> -> memref<1x128x128xf32, #tpu.memory_space<vmem>>
    %dma_wait3A_59 = tpu.memref_squeeze %dma_wait3A_58 : memref<1x128x128xf32, #tpu.memory_space<vmem>> -> memref<128x128xf32, #tpu.memory_space<vmem>>
    %dma_wait3A_60 = arith.constant 0 : i32
    %dma_wait3A_61 = tpu.memref_slice %arg4[%dma_wait3A_54, %mul3A_2, %dma_wait3A_60] : memref<50x4096x128xf32, #tpu.memory_space<hbm>> -> memref<1x128x128xf32, #tpu.memory_space<hbm>>
    %dma_wait3A_62 = tpu.memref_squeeze %dma_wait3A_61 : memref<1x128x128xf32, #tpu.memory_space<hbm>> -> memref<128x128xf32, #tpu.memory_space<hbm>>
    %dma_wait3A_63 = tpu.memref_slice %arg9[%dma_wait3A_55] : memref<5x!tpu.dma_semaphore, #tpu.memory_space<semaphore_mem>> -> memref<1x!tpu.dma_semaphore, #tpu.memory_space<semaphore_mem>>
    %dma_wait3A_64 = tpu.memref_squeeze %dma_wait3A_63 : memref<1x!tpu.dma_semaphore, #tpu.memory_space<semaphore_mem>> -> memref<!tpu.dma_semaphore, #tpu.memory_space<semaphore_mem>>
    %dma_wait3A_65 = arith.constant 0 : i32
    %dma_wait3A_66 = tpu.memref_slice %arg4[%dma_wait3A_54, %mul3A_2, %dma_wait3A_65] : memref<50x4096x128xf32, #tpu.memory_space<hbm>> -> memref<1x128x128xf32, #tpu.memory_space<hbm>>
    %dma_wait3A_67 = tpu.memref_squeeze %dma_wait3A_66 : memref<1x128x128xf32, #tpu.memory_space<hbm>> -> memref<128x128xf32, #tpu.memory_space<hbm>>
    %dma_wait3A_68 = arith.constant 0 : i32
    %dma_wait3A_69 = arith.constant 0 : i32
    %dma_wait3A_70 = tpu.memref_slice %arg6[%dma_wait3A, %dma_wait3A_68, %dma_wait3A_69] : memref<5x128x128xf32, #tpu.memory_space<vmem>> -> memref<1x128x128xf32, #tpu.memory_space<vmem>>
    %dma_wait3A_71 = tpu.memref_squeeze %dma_wait3A_70 : memref<1x128x128xf32, #tpu.memory_space<vmem>> -> memref<128x128xf32, #tpu.memory_space<vmem>>
    tpu.wait_dma2 semaphore(%dma_wait3A_64 : memref<!tpu.dma_semaphore, #tpu.memory_space<semaphore_mem>>) src(%dma_wait3A_71 : memref<128x128xf32, #tpu.memory_space<vmem>>) dst(%dma_wait3A_67 : memref<128x128xf32, #tpu.memory_space<hbm>>)
    %dma_wait3A_72 = arith.constant 1 : i32
    %dma_wait3A_73 = arith.constant 46 : i32
    %dma_wait3A_74 = arith.constant 1 : i32
    %dma_wait3A_75 = arith.constant 0 : i32
    %dma_wait3A_76 = arith.constant 0 : i32
    %dma_wait3A_77 = tpu.memref_slice %arg6[%dma_wait3A_72, %dma_wait3A_75, %dma_wait3A_76] : memref<5x128x128xf32, #tpu.memory_space<vmem>> -> memref<1x128x128xf32, #tpu.memory_space<vmem>>
    %dma_wait3A_78 = tpu.memref_squeeze %dma_wait3A_77 : memref<1x128x128xf32, #tpu.memory_space<vmem>> -> memref<128x128xf32, #tpu.memory_space<vmem>>
    %dma_wait3A_79 = arith.constant 0 : i32
    %dma_wait3A_80 = tpu.memref_slice %arg4[%dma_wait3A_73, %mul3A_2, %dma_wait3A_79] : memref<50x4096x128xf32, #tpu.memory_space<hbm>> -> memref<1x128x128xf32, #tpu.memory_space<hbm>>
    %dma_wait3A_81 = tpu.memref_squeeze %dma_wait3A_80 : memref<1x128x128xf32, #tpu.memory_space<hbm>> -> memref<128x128xf32, #tpu.memory_space<hbm>>
    %dma_wait3A_82 = tpu.memref_slice %arg9[%dma_wait3A_74] : memref<5x!tpu.dma_semaphore, #tpu.memory_space<semaphore_mem>> -> memref<1x!tpu.dma_semaphore, #tpu.memory_space<semaphore_mem>>
    %dma_wait3A_83 = tpu.memref_squeeze %dma_wait3A_82 : memref<1x!tpu.dma_semaphore, #tpu.memory_space<semaphore_mem>> -> memref<!tpu.dma_semaphore, #tpu.memory_space<semaphore_mem>>
    %dma_wait3A_84 = arith.constant 0 : i32
    %dma_wait3A_85 = tpu.memref_slice %arg4[%dma_wait3A_73, %mul3A_2, %dma_wait3A_84] : memref<50x4096x128xf32, #tpu.memory_space<hbm>> -> memref<1x128x128xf32, #tpu.memory_space<hbm>>
    %dma_wait3A_86 = tpu.memref_squeeze %dma_wait3A_85 : memref<1x128x128xf32, #tpu.memory_space<hbm>> -> memref<128x128xf32, #tpu.memory_space<hbm>>
    %dma_wait3A_87 = arith.constant 0 : i32
    %dma_wait3A_88 = arith.constant 0 : i32
    %dma_wait3A_89 = tpu.memref_slice %arg6[%dma_wait3A_72, %dma_wait3A_87, %dma_wait3A_88] : memref<5x128x128xf32, #tpu.memory_space<vmem>> -> memref<1x128x128xf32, #tpu.memory_space<vmem>>
    %dma_wait3A_90 = tpu.memref_squeeze %dma_wait3A_89 : memref<1x128x128xf32, #tpu.memory_space<vmem>> -> memref<128x128xf32, #tpu.memory_space<vmem>>
    tpu.wait_dma2 semaphore(%dma_wait3A_83 : memref<!tpu.dma_semaphore, #tpu.memory_space<semaphore_mem>>) src(%dma_wait3A_90 : memref<128x128xf32, #tpu.memory_space<vmem>>) dst(%dma_wait3A_86 : memref<128x128xf32, #tpu.memory_space<hbm>>)
    %dma_wait3A_91 = arith.constant 2 : i32
    %dma_wait3A_92 = arith.constant 47 : i32
    %dma_wait3A_93 = arith.constant 2 : i32
    %dma_wait3A_94 = arith.constant 0 : i32
    %dma_wait3A_95 = arith.constant 0 : i32
    %dma_wait3A_96 = tpu.memref_slice %arg6[%dma_wait3A_91, %dma_wait3A_94, %dma_wait3A_95] : memref<5x128x128xf32, #tpu.memory_space<vmem>> -> memref<1x128x128xf32, #tpu.memory_space<vmem>>
    %dma_wait3A_97 = tpu.memref_squeeze %dma_wait3A_96 : memref<1x128x128xf32, #tpu.memory_space<vmem>> -> memref<128x128xf32, #tpu.memory_space<vmem>>
    %dma_wait3A_98 = arith.constant 0 : i32
    %dma_wait3A_99 = tpu.memref_slice %arg4[%dma_wait3A_92, %mul3A_2, %dma_wait3A_98] : memref<50x4096x128xf32, #tpu.memory_space<hbm>> -> memref<1x128x128xf32, #tpu.memory_space<hbm>>
    %dma_wait3A_100 = tpu.memref_squeeze %dma_wait3A_99 : memref<1x128x128xf32, #tpu.memory_space<hbm>> -> memref<128x128xf32, #tpu.memory_space<hbm>>
    %dma_wait3A_101 = tpu.memref_slice %arg9[%dma_wait3A_93] : memref<5x!tpu.dma_semaphore, #tpu.memory_space<semaphore_mem>> -> memref<1x!tpu.dma_semaphore, #tpu.memory_space<semaphore_mem>>
    %dma_wait3A_102 = tpu.memref_squeeze %dma_wait3A_101 : memref<1x!tpu.dma_semaphore, #tpu.memory_space<semaphore_mem>> -> memref<!tpu.dma_semaphore, #tpu.memory_space<semaphore_mem>>
    %dma_wait3A_103 = arith.constant 0 : i32
    %dma_wait3A_104 = tpu.memref_slice %arg4[%dma_wait3A_92, %mul3A_2, %dma_wait3A_103] : memref<50x4096x128xf32, #tpu.memory_space<hbm>> -> memref<1x128x128xf32, #tpu.memory_space<hbm>>
    %dma_wait3A_105 = tpu.memref_squeeze %dma_wait3A_104 : memref<1x128x128xf32, #tpu.memory_space<hbm>> -> memref<128x128xf32, #tpu.memory_space<hbm>>
    %dma_wait3A_106 = arith.constant 0 : i32
    %dma_wait3A_107 = arith.constant 0 : i32
    %dma_wait3A_108 = tpu.memref_slice %arg6[%dma_wait3A_91, %dma_wait3A_106, %dma_wait3A_107] : memref<5x128x128xf32, #tpu.memory_space<vmem>> -> memref<1x128x128xf32, #tpu.memory_space<vmem>>
    %dma_wait3A_109 = tpu.memref_squeeze %dma_wait3A_108 : memref<1x128x128xf32, #tpu.memory_space<vmem>> -> memref<128x128xf32, #tpu.memory_space<vmem>>
    tpu.wait_dma2 semaphore(%dma_wait3A_102 : memref<!tpu.dma_semaphore, #tpu.memory_space<semaphore_mem>>) src(%dma_wait3A_109 : memref<128x128xf32, #tpu.memory_space<vmem>>) dst(%dma_wait3A_105 : memref<128x128xf32, #tpu.memory_space<hbm>>)
    %dma_wait3A_110 = arith.constant 3 : i32
    %dma_wait3A_111 = arith.constant 48 : i32
    %dma_wait3A_112 = arith.constant 3 : i32
    %dma_wait3A_113 = arith.constant 0 : i32
    %dma_wait3A_114 = arith.constant 0 : i32
    %dma_wait3A_115 = tpu.memref_slice %arg6[%dma_wait3A_110, %dma_wait3A_113, %dma_wait3A_114] : memref<5x128x128xf32, #tpu.memory_space<vmem>> -> memref<1x128x128xf32, #tpu.memory_space<vmem>>
    %dma_wait3A_116 = tpu.memref_squeeze %dma_wait3A_115 : memref<1x128x128xf32, #tpu.memory_space<vmem>> -> memref<128x128xf32, #tpu.memory_space<vmem>>
    %dma_wait3A_117 = arith.constant 0 : i32
    %dma_wait3A_118 = tpu.memref_slice %arg4[%dma_wait3A_111, %mul3A_2, %dma_wait3A_117] : memref<50x4096x128xf32, #tpu.memory_space<hbm>> -> memref<1x128x128xf32, #tpu.memory_space<hbm>>
    %dma_wait3A_119 = tpu.memref_squeeze %dma_wait3A_118 : memref<1x128x128xf32, #tpu.memory_space<hbm>> -> memref<128x128xf32, #tpu.memory_space<hbm>>
    %dma_wait3A_120 = tpu.memref_slice %arg9[%dma_wait3A_112] : memref<5x!tpu.dma_semaphore, #tpu.memory_space<semaphore_mem>> -> memref<1x!tpu.dma_semaphore, #tpu.memory_space<semaphore_mem>>
    %dma_wait3A_121 = tpu.memref_squeeze %dma_wait3A_120 : memref<1x!tpu.dma_semaphore, #tpu.memory_space<semaphore_mem>> -> memref<!tpu.dma_semaphore, #tpu.memory_space<semaphore_mem>>
    %dma_wait3A_122 = arith.constant 0 : i32
    %dma_wait3A_123 = tpu.memref_slice %arg4[%dma_wait3A_111, %mul3A_2, %dma_wait3A_122] : memref<50x4096x128xf32, #tpu.memory_space<hbm>> -> memref<1x128x128xf32, #tpu.memory_space<hbm>>
    %dma_wait3A_124 = tpu.memref_squeeze %dma_wait3A_123 : memref<1x128x128xf32, #tpu.memory_space<hbm>> -> memref<128x128xf32, #tpu.memory_space<hbm>>
    %dma_wait3A_125 = arith.constant 0 : i32
    %dma_wait3A_126 = arith.constant 0 : i32
    %dma_wait3A_127 = tpu.memref_slice %arg6[%dma_wait3A_110, %dma_wait3A_125, %dma_wait3A_126] : memref<5x128x128xf32, #tpu.memory_space<vmem>> -> memref<1x128x128xf32, #tpu.memory_space<vmem>>
    %dma_wait3A_128 = tpu.memref_squeeze %dma_wait3A_127 : memref<1x128x128xf32, #tpu.memory_space<vmem>> -> memref<128x128xf32, #tpu.memory_space<vmem>>
    tpu.wait_dma2 semaphore(%dma_wait3A_121 : memref<!tpu.dma_semaphore, #tpu.memory_space<semaphore_mem>>) src(%dma_wait3A_128 : memref<128x128xf32, #tpu.memory_space<vmem>>) dst(%dma_wait3A_124 : memref<128x128xf32, #tpu.memory_space<hbm>>)
    %dma_wait3A_129 = arith.constant 4 : i32
    %dma_wait3A_130 = arith.constant 49 : i32
    %dma_wait3A_131 = arith.constant 4 : i32
    %dma_wait3A_132 = arith.constant 0 : i32
    %dma_wait3A_133 = arith.constant 0 : i32
    %dma_wait3A_134 = tpu.memref_slice %arg6[%dma_wait3A_129, %dma_wait3A_132, %dma_wait3A_133] : memref<5x128x128xf32, #tpu.memory_space<vmem>> -> memref<1x128x128xf32, #tpu.memory_space<vmem>>
    %dma_wait3A_135 = tpu.memref_squeeze %dma_wait3A_134 : memref<1x128x128xf32, #tpu.memory_space<vmem>> -> memref<128x128xf32, #tpu.memory_space<vmem>>
    %dma_wait3A_136 = arith.constant 0 : i32
    %dma_wait3A_137 = tpu.memref_slice %arg4[%dma_wait3A_130, %mul3A_2, %dma_wait3A_136] : memref<50x4096x128xf32, #tpu.memory_space<hbm>> -> memref<1x128x128xf32, #tpu.memory_space<hbm>>
    %dma_wait3A_138 = tpu.memref_squeeze %dma_wait3A_137 : memref<1x128x128xf32, #tpu.memory_space<hbm>> -> memref<128x128xf32, #tpu.memory_space<hbm>>
    %dma_wait3A_139 = tpu.memref_slice %arg9[%dma_wait3A_131] : memref<5x!tpu.dma_semaphore, #tpu.memory_space<semaphore_mem>> -> memref<1x!tpu.dma_semaphore, #tpu.memory_space<semaphore_mem>>
    %dma_wait3A_140 = tpu.memref_squeeze %dma_wait3A_139 : memref<1x!tpu.dma_semaphore, #tpu.memory_space<semaphore_mem>> -> memref<!tpu.dma_semaphore, #tpu.memory_space<semaphore_mem>>
    %dma_wait3A_141 = arith.constant 0 : i32
    %dma_wait3A_142 = tpu.memref_slice %arg4[%dma_wait3A_130, %mul3A_2, %dma_wait3A_141] : memref<50x4096x128xf32, #tpu.memory_space<hbm>> -> memref<1x128x128xf32, #tpu.memory_space<hbm>>
    %dma_wait3A_143 = tpu.memref_squeeze %dma_wait3A_142 : memref<1x128x128xf32, #tpu.memory_space<hbm>> -> memref<128x128xf32, #tpu.memory_space<hbm>>
    %dma_wait3A_144 = arith.constant 0 : i32
    %dma_wait3A_145 = arith.constant 0 : i32
    %dma_wait3A_146 = tpu.memref_slice %arg6[%dma_wait3A_129, %dma_wait3A_144, %dma_wait3A_145] : memref<5x128x128xf32, #tpu.memory_space<vmem>> -> memref<1x128x128xf32, #tpu.memory_space<vmem>>
    %dma_wait3A_147 = tpu.memref_squeeze %dma_wait3A_146 : memref<1x128x128xf32, #tpu.memory_space<vmem>> -> memref<128x128xf32, #tpu.memory_space<vmem>>
    tpu.wait_dma2 semaphore(%dma_wait3A_140 : memref<!tpu.dma_semaphore, #tpu.memory_space<semaphore_mem>>) src(%dma_wait3A_147 : memref<128x128xf32, #tpu.memory_space<vmem>>) dst(%dma_wait3A_143 : memref<128x128xf32, #tpu.memory_space<hbm>>)
    return
  }
}

</mosaic_0001>

<sc_bundles>
// kernel: kernel.3.cloned.1.call-start
scs
__scs_entry_jumppad:
0x0: {  	(pc) =	sbr.rel $0x88, $3  }
0x1: {  	(tag) =	ssettag $0x0;
	lr =	simm.s32 $0x1  }
0x2: {  	[smem:$0x3F9F] =	sst lr;
	_ =	strace $0xD0000000  }
0x3: {  	_ = 	snop  }
0x4: {  	_ = 	snop  }
0x5: {  	_ = 	snop  }
0x6: {  	_ = 	snop  }
0x7: {  	_ = 	snop  }
__scs_overlays_trampoline_lowered:
0x8: {  	[smem:$0x3FAE] =	sst s0  }
0x9: {  	[smem:$0x3FAF] =	sst s1  }
0xa: {  	[smem:$0x3FB0] =	sst s2  }
0xb: {  	[smem:$0x3FB1] =	sst s3  }
0xc: {  	[smem:$0x3FB2] =	sst s4  }
0xd: {  	[smem:$0x3FB3] =	sst s5  }
0xe: {  	[smem:$0x3FB4] =	sst s6  }
0xf: {  	[smem:$0x3FB5] =	sst s7  }
0x10: {  	[smem:$0x3FB6] =	sst s8  }
0x11: {  	[smem:$0x3FB7] =	sst s9;
	s0 =	simm.s32 @!p0 $0x0  }
0x12: {  	s1 =	sld [smem:$0x3F9D];
	s0 =	simm.s32 @p0 $0x1  }
0x13: {  	[smem:$0x3FB8] =	sst s0;
	s0 =	simm.s32 @!p1 $0x0  }
0x14: {  	s2 =	sld [smem:$0x3F9C];
	s0 =	simm.s32 @p1 $0x1  }
0x15: {  	[smem:$0x3FB9] =	sst s0;
	s0 =	simm.s32 @!p2 $0x0  }
0x16: {  	s3 =	sld [smem:$0x3FDB];
	s0 =	simm.s32 @p2 $0x1  }
0x17: {  	s4 =	simm.s32 $0x1BF5;
	[smem:$0x3FBB] =	sst s0  }
0x18: {  	s0 =	sld [smem:$0x3F9E];
	_ =	swait.ge [sflag:s4], $0x0  }
0x19: {  	s7 =	sld [smem:$0x3F9F]  }
0x1a: {  	s8 =	sadd.s32 $0xFFFFE003, lr  }
0x1b: {  	s9 =	sadd.s32 $0xFFFFFEF7, lr;
	s5 =	simm.s32 $0xFFFFFFFF;
	p2 =	slt.u32 s8, $0xFFFFF086  }
0x1c: {  	p1 =	slt.u32 s9, $0xF7A;
	s5 =	simm.s32 @!p2 $0x0  }
0x1d: {  	s5 =	simm.s32 @p1 $0x1;
	p0 =	seq.s32 s7, s2  }
0x1e: {  	s7 =	smul.u32 @!p0 $0xF7A, s2;
	p2 =	seq.s32 @!p0 s5, $0x0  }
0x1f: {  	s9 =	smul.u32 $0xF7A, s1;
	s8 =	simm.s32 @!p0 $0x1BF5;
	p2 =	por !p2, p0  }
0x20: {  	[sflag:s8] =	ssyncset.s32 @!p0 $0xFFFFF086;
	s6 =	sadd.s32 @!p0 s3, s7;
	s7 =	simm.s32 @!p0 $0x108  }
0x21: {  	s3 =	sadd.s32 s3, s9;
	s6 =	sadd.s32 @!p0 $0x88, s6;
	s7 =	simm.s32 @p2 $0x1082  }
0x22: {  	[simem:s7], [sflag:s8] =	dma.local @!p0 [hbm:s6], $0xF7A  }
0x23: {  	s9 =	sor.u32 $0xD0000000, s2;
	s6 =	simm.s32 $0x108;
	_ =	swait.ge @!p0 [sflag:s8], $0x0  }
0x24: {  	s3 =	sadd.s32 $0x88, s3;
	s6 =	simm.s32 @!p1 $0x1082;
	[sflag:s4] =	ssyncset.s32 $0xFFFFF086  }
0x25: {  	[simem:s6], [sflag:s4] =	dma.local [hbm:s3], $0xF7A  }
0x26: {  	[smem:$0x3F9F] =	sst s1;
	(tag) =	ssettag s2;
	_ =	strace s9  }
0x27: {  	s1 =	sld [smem:$0x3FAF]  }
0x28: {  	s2 =	sld [smem:$0x3FB0]  }
0x29: {  	s4 =	sld [smem:$0x3FB2]  }
0x2a: {  	p0 =	seq.s32 s5, $0x0;
	s5 =	sld [smem:$0x3FB3]  }
0x2b: {  	s6 =	sld [smem:$0x3FB4]  }
0x2c: {  	s7 =	sld [smem:$0x3FB5]  }
0x2d: {  	s3 =	simm.s32 $0x108;
	s8 =	sld [smem:$0x3FB6]  }
0x2e: {  	s3 =	simm.s32 @!p0 $0x1082;
	s9 =	sld [smem:$0x3FB7]  }
0x2f: {  	lr =	sadd.s32 s0, s3;
	s0 =	sld [smem:$0x3FAE]  }
0x30: {  	s3 =	sld [smem:$0x3FB1]  }
0x31: {  	[smem:$0x3FBA] =	sst s10  }
0x32: {  	s10 =	sld [smem:$0x3FB8];
	_ =	sdelay $0x3  }
0x33: {  	p0 =	seq.s32 s10, $0x1;
	s10 =	sld [smem:$0x3FBA];
	_ =	sdelay $0x3  }
0x34: {  	[smem:$0x3FBA] =	sst s10  }
0x35: {  	s10 =	sld [smem:$0x3FB9];
	_ =	sdelay $0x3  }
0x36: {  	p1 =	seq.s32 s10, $0x1;
	s10 =	sld [smem:$0x3FBA];
	_ =	sdelay $0x3  }
0x37: {  	[smem:$0x3FBA] =	sst s10  }
0x38: {  	s10 =	sld [smem:$0x3FBB]  }
0x39: {  	_ = 	snop;
	(pc) =	sbr.ind lr, $3  }
0x3a: {  	_ = 	snop  }
0x3b: {  	_ = 	snop  }
0x3c: {  	p2 =	seq.s32 s10, $0x1;
	s10 =	sld [smem:$0x3FBA]  }
0x3d: {  	_ =	shalt  }
0x3e: {  	_ =	shalt  }
0x3f: {  	_ =	shalt  }
0x40: {  	_ =	shalt  }
0x41: {  	_ =	shalt  }
0x42: {  	_ =	shalt  }
0x43: {  	_ =	shalt  }
0x44: {  	_ =	shalt  }
0x45: {  	_ =	shalt  }
0x46: {  	_ =	shalt  }
0x47: {  	_ =	shalt  }
0x48: {  	_ =	shalt  }
0x49: {  	_ =	shalt  }
0x4a: {  	_ =	shalt  }
0x4b: {  	_ =	shalt  }
0x4c: {  	_ =	shalt  }
0x4d: {  	_ =	shalt  }
0x4e: {  	_ =	shalt  }
0x4f: {  	_ =	shalt  }
0x50: {  	_ =	shalt  }
0x51: {  	_ =	shalt  }
0x52: {  	_ =	shalt  }
0x53: {  	_ =	shalt  }
0x54: {  	_ =	shalt  }
0x55: {  	_ =	shalt  }
0x56: {  	_ =	shalt  }
0x57: {  	_ =	shalt  }
0x58: {  	_ =	shalt  }
0x59: {  	_ =	shalt  }
0x5a: {  	_ =	shalt  }
0x5b: {  	_ =	shalt  }
0x5c: {  	_ =	shalt  }
0x5d: {  	_ =	shalt  }
0x5e: {  	_ =	shalt  }
0x5f: {  	_ =	shalt  }
0x60: {  	_ =	shalt  }
0x61: {  	_ =	shalt  }
0x62: {  	_ =	shalt  }
0x63: {  	_ =	shalt  }
0x64: {  	_ =	shalt  }
0x65: {  	_ =	shalt  }
0x66: {  	_ =	shalt  }
0x67: {  	_ =	shalt  }
0x68: {  	_ =	shalt  }
0x69: {  	_ =	shalt  }
0x6a: {  	_ =	shalt  }
0x6b: {  	_ =	shalt  }
0x6c: {  	_ =	shalt  }
0x6d: {  	_ =	shalt  }
0x6e: {  	_ =	shalt  }
0x6f: {  	_ =	shalt  }
0x70: {  	_ =	shalt  }
0x71: {  	_ =	shalt  }
0x72: {  	_ =	shalt  }
0x73: {  	_ =	shalt  }
0x74: {  	_ =	shalt  }
0x75: {  	_ =	shalt  }
0x76: {  	_ =	shalt  }
0x77: {  	_ =	shalt  }
0x78: {  	_ =	shalt  }
0x79: {  	_ =	shalt  }
0x7a: {  	_ =	shalt  }
0x7b: {  	_ =	shalt  }
0x7c: {  	_ =	shalt  }
0x7d: {  	_ =	shalt  }
0x7e: {  	_ =	shalt  }
0x7f: {  	_ =	shalt  }
0x80: {  	_ =	shalt  }
0x81: {  	_ =	shalt  }
0x82: {  	_ =	shalt  }
0x83: {  	_ =	shalt  }
0x84: {  	_ =	shalt  }
0x85: {  	_ =	shalt  }
0x86: {  	_ =	shalt  }
0x87: {  	_ =	shalt  }
.Lfunc_end0:
.L_simem_size_0:
called_computation_lowered:
.L_overlay_start_0:
0x88: {  	s2 =	sld [smem:$0x3FD9]  }
0x89: {  	s3 =	sld [smem:$0x3FFE];
	_ =	sdelay $0x1  }
0x8a: {  	s1 =	srdreg.scid  }
0x8b: {  	s0 =	sand.u32 $0x1, s1  }
0x8c: {  	s18 =	sshll.u32 s0, $0xA;
	s2 =	sadd.s32 s3, s2  }
0x8d: {  	s2 =	sadd.s32 s2, s18  }
0x8e: {  	[smem:$0x3FC6] =	sst s2  }
0x8f: {  	_ = 	snop  }
0x90: {  	s2 =	sld [smem:$0x3FC9]  }
0x91: {  	s19 =	sld [smem:$0x3FC8]  }
0x92: {  	s4 =	sld [smem:$0x3FD0];
	(tm) =	ssettm $0x1  }
0x93: {  	s5 =	sld [smem:$0x3FFB];
	_ =	sdelay $0x3  }
0x94: {  	_ =	strace s5  }
0x95: {  	s5 =	sld [smem:$0x3FFC];
	_ =	sdelay $0x3  }
0x96: {  	_ =	strace s5  }
0x97: {  	s5 =	sld [smem:$0x3FFD];
	_ =	sdelay $0x3  }
0x98: {  	_ =	strace s5  }
0x99: {  	_ =	strace $0x8FFFFFFF  }
0x9a: {  	s20 =	sld [smem:$0x3FDB];
	_ =	sdelay $0x1  }
0x9b: {  	s6 =	simm.s32 $_scs_section_size  }
0x9c: {  	s7 =	simm.s32 $_size__tile_overlayer_lowered;
	s8 =	simm.s32 $_tile_overlayer_lowered  }
0x9d: {  	s23 =	simm.s32 $0x1BFF;
	s22 =	sshll.u32 s8, $0x1;
	s5 =	sadd.s32 s6, s20  }
0x9e: {  	s9 =	simm.s32 $0x0;
	s21 =	sshll.u32 s7, $0x1;
	s7 =	sadd.s32 s22, s5  }
0x9f: {  	[timem:s9], [sflag:s23] =	dma.local [hbm:s7], s21  }
0xa0: {  	_ =	swait.ge [sflag:s23], s21  }
0xa1: {  	s6 =	ssub.s32 $0x0, s21;
	[sflag:s23] =	ssyncset.done $0x0  }
0xa2: {  	[sflag:s23] =	ssyncadd.s32 s6;
	_ =	sdelay $0x1  }
0xa3: {  	s24 =	simm.s32 $0x1B8B  }
0xa4: {  	_ =	swait.ge [sflag:s24], $0x1  }
0xa5: {  	[sflag:s24] =	ssyncset.done $0x0  }
0xa6: {  	s25 =	simm.s32 $0x1B8E;
	[sflag:s24] =	ssyncadd.s32 $0xFFFFFFFF  }
0xa7: {  	s26 =	simm.s32 $execute0_lowered;
	[smem:$0x3FD2] =	sst s25  }
0xa8: {  	s6 =	sshll.u32 s26, $0x1;
	_ =	strace $0x80000046;
	[dreg:$0x1] =	wrdreg $0xFFFFFFFF  }
0xa9: {  	s28 =	simm.s32 $_size_execute0_lowered;
	s5 =	sadd.s32 s5, s6;
	[dreg:$0x0] =	wrdreg $0x0  }
0xaa: {  	s6 =	sshll.u32 s28, $0x1;
	[dreg:$0x2] =	wrdreg s5  }
0xab: {  	[dreg:$0x3] =	wrdreg s6  }
0xac: {  	[dreg:$0x4] =	wrdreg $0xC0  }
0xad: {  	_ =	task [dreg:s9], $0x5FFFF  }
0xae: {  	[dreg:$0x1] =	wrdreg $0xFFFFFFFF  }
0xaf: {  	[dreg:$0x0] =	wrdreg $0x60  }
0xb0: {  	[dreg:$0x2] =	wrdreg s2  }
0xb1: {  	[dreg:$0x3] =	wrdreg s19  }
0xb2: {  	[dreg:$0x4] =	wrdreg s4  }
0xb3: {  	[dreg:$0x5] =	wrdreg $0x15C000  }
0xb4: {  	[dreg:$0x6] =	wrdreg $0x9  }
0xb5: {  	_ =	task.clear_ibuf [dreg:s9], $0x7FFFF;
	_ =	strace $0x90000046  }
0xb6: {  	s29 =	simm.s32 $0x9;
	_ =	strace $0x80000048  }
0xb7: {  	_ =	swait.ge [sflag:s29], $0x1  }
0xb8: {  	[sflag:s29] =	ssyncadd.s32 $0xFFFFFFFF  }
0xb9: {  	_ =	strace $0x90000048  }
0xba: {  	_ =	sfence  }
0xbb: {  	s30 =	sld [smem:$0x0];
	_ =	sdelay $0x2  }
0xbc: {  	s31 =	sshll.u32 s1, $0xD;
	s1 =	sshrl.u32 s1, $0x2  }
0xbd: {  	s3 =	sand.u32 $0x4000, s31;
	s1 =	sadd.s32 s1, s30  }
0xbe: {  	s0 =	sor.u32 s3, s0;
	s1 =	sshll.u32 s1, $0x11  }
0xbf: {  	s0 =	sor.u32 s1, s0  }
0xc0: {  	s0 =	sadd.s32 $0x8F2B, s0  }
0xc1: {  	[sflag:s0] =	ssyncadd.remote.s32 $0x1  }
0xc2: {  	_ =	sfence.sel $0xFFFF  }
0xc3: {  	[dreg:$0x0] =	wrdreg $0xFFFFFFFF;
	(pc) =	sbr.abs _section_cstart, $3  }
0xc4: {  	[dreg:$0x1] =	wrdreg $0xFFFFFFFF  }
0xc5: {  	_ =	task.clear_ibuf [dreg:s9], $0x2FFFF;
	_ =	strace $0x9FFFFFFF  }
0xc6: {  	(tm) =	ssettm $0x7FFFFFFF  }
0xc7: {  	_ =	shalt  }
tec
execute0_lowered:
.L_overlay_start_1:
0x0: {  	(tag) =	ssettag $0x1  }
0x1: {  	s0 =	rddreg [dreg:$0x0]  }
0x2: {  	s1 =	rddreg [dreg:$0x2]  }
0x3: {  	s2 =	rddreg [dreg:$0x3]  }
0x4: {  	s4 =	srdreg.scid;
	s3 =	simm.s32 $0x0;
	s9 =	stileid.u32  }
0x5: {  	s17 =	simm.s32 $0x80;
	s18 =	simm.s32 $0x1C00;
	s28 =	simm.s32 $0x5  }
0x6: {  	s12 =	simm.s32 $0x0;
	s4 =	sand.u32 $0x1, s4;
	[smem:$0x7FF] =	sst s3  }
0x7: {  	s19 =	sshll.u32 s9, $0x8;
	s20 =	sshll.u32 s9, $0xF;
	p0 =	sne.s32 s9, $0x0  }
0x8: {  	s5 =	ssub.s32 $0x2, s4;
	s7 =	sshll.u32 s4, $0x7;
	s4 =	sshll.u32 s4, $0xE  }
0x9: {  	_ =	strace $0x80000047;
	s6 =	sshrl.u32 s5, $0x1;
	s4 =	sor.u32 s4, s20  }
0xa: {  	s5 =	ssub.s32 s5, s6;
	s6 =	sor.u32 s7, s19;
	s22 =	sor.u32 $0x100000, s4  }
0xb: {  	s7 =	sor.u32 $0x80000, s4;
	s25 =	sshrl.u32 s4, $0x3;
	s26 =	sor.u32 $0x200000, s4  }
0xc: {  	s4 =	sor.u32 $0x180000, s4;
	s19 =	simm.s32 $0x5C00;
	s11 =	sadd.s32 s0, s6  }
0xd: {  	s21 =	sshll.u32 s6, $0x4;
	s5 =	smax.u32 s5, $0x1;
	s24 =	sshrl.u32 s7, $0x3  }
0xe: {  	s8 =	sadd.s32 s25, s1;
	s29 =	sshrl.u32 s26, $0x3;
	s30 =	sshrl.u32 s4, $0x3  }
0xf: {  	s25 =	simm.s32 $0x2;
	s26 =	simm.s32 $0x4;
	[dreg:$0x7] =	wrdreg s5  }
0x10: {  	s0 =	sadd.s32 s21, s1;
	[dreg:$0x6] =	wrdreg s11;
	s31 =	sadd.s32 $0x6000, s11  }
0x11: {  	s5 =	sshrl.u32 s22, $0x3;
	s0 =	sadd.s32 $0x2F0000, s0;
	[dreg:$0xb] =	wrdreg s31  }
0x12: {  	s14 =	sadd.s32 s29, s1;
	s23 =	sadd.s32 s5, s1;
	[dreg:$0x5] =	wrdreg s0  }
0x13: {  	s10 =	sadd.s32 s30, s1;
	[dreg:$0x8] =	wrdreg s23;
	s0 =	sadd.s32 s24, s1  }
0x14: {  	s22 =	simm.s32 $0xDC00;
	[dreg:$0x9] =	wrdreg s0;
	s0 =	sshrl.u32 @!p0 s2, $0x3  }
0x15: {  	s23 =	simm.s32 $0x1;
	s24 =	simm.s32 $0x11C00;
	[dreg:$0xa] =	wrdreg s0  }
.LBB2_1:
0x16: {  	s0 =	rddreg [dreg:$0x1]  }
0x17: {  	s4 =	simm.s32 @!p0 $0x1C0B;
	s1 =	rddreg [dreg:$0xa]  }
0x18: {  	[spmem:s1], [sflag:s4] =	dma.local @!p0 [hbm:s0], $0x3EA0  }
0x19: {  	s4 =	simm.s32 @!p0 $0xB  }
0x1a: {  	_ =	swait.ge @!p0 [sflag:s4], $0x3EA0  }
0x1b: {  	s11 =	simm.s32 $0x400;
	[sflag:s4] =	ssyncset.done @!p0 $0x0  }
0x1c: {  	s13 =	simm.s32 $0x8000;
	s9 =	rddreg [dreg:$0x6];
	[sflag:s4] =	ssyncadd.s32 @!p0 $0xFFFFC160  }
0x1d: {  	[tilespmem:s3], [sflag:$0xB] =	stream.strided.gather [hbm4b:s9+s11], $0x1800, s13, s11, $0x38;
	[tilespmem:$0x17B50] =	vst v63  }
0x1e: {  	s16 =	simm.s32 $0x1800;
	s20 =	simm.s32 $0xB;
	s15 =	rddreg [dreg:$0xb]  }
0x1f: {  	[tilespmem:s16], [sflag:$0xB] =	stream.linear.gather [hbm4b:s15+s3], $0x100, $0x38;
	[tilespmem:$0x17B50] =	vst v63  }
0x20: {  	_ =	swait.ge [sflag:s20], $0x1900  }
0x21: {  	[sflag:s20] =	ssyncset.done $0x0  }
0x22: {  	[sflag:s20] =	ssyncadd.s32 $0xFFFFE700  }
0x23: {  	[bflag:$0x0] =	sbarrier.arrive $0xFFFF  }
0x24: {  	[tilespmem:s18], [sflag:$0x1] =	stream.indirect.gather [spmem:s2], $0x80, s3, s17, $0xb8;
	[tilespmem:$0x17B50] =	vst v63  }
0x25: {  	p1 =	por $0x1, $0x1  }
0x26: {  	[tilespmem:s19], [sflag:$0x2] =	stream.indirect.gather [spmem:s2], $0x80, s17, s17, $0xb8;
	[tilespmem:$0x17B50] =	vst v63  }
0x27: {  	s21 =	simm.s32 $0x100;
	s29 =	simm.s32 $0x9C00;
	s4 =	simm.s32 @!p1 $0x9  }
0x28: {  	[tilespmem:s29], [sflag:$0x3] =	stream.indirect.gather [spmem:s2], $0x80, s21, s17, $0xb8;
	[tilespmem:$0x17B50] =	vst v63  }
0x29: {  	_ =	swait.ge @!p1 [sflag:s4], $0x4000  }
0x2a: {  	[sflag:s4] =	ssyncset.done @!p1 $0x0  }
0x2b: {  	s5 =	simm.s32 $0x180;
	[sflag:s4] =	ssyncadd.s32 @!p1 $0xFFFFC000  }
0x2c: {  	[tilespmem:s22], [sflag:$0x4] =	stream.indirect.gather [spmem:s2], $0x80, s5, s17, $0xb8;
	[tilespmem:$0x17B50] =	vst v63  }
0x2d: {  	_ =	swait.ge [sflag:s23], $0x4000  }
0x2e: {  	[sflag:s23] =	ssyncset.done $0x0  }
0x2f: {  	s4 =	simm.s32 @!p1 $0xA;
	[sflag:s23] =	ssyncadd.s32 $0xFFFFC000  }
0x30: {  	[hbm4b:s8+s3] =	stream.linear.scatter [tilespmem:s18], [sflag:$0x6], $0x4000, $0x38;
	[tilespmem:$0x17B50] =	vst v63  }
0x31: {  	_ =	swait.ge @!p1 [sflag:s4], $0x4000  }
0x32: {  	[sflag:s4] =	ssyncset.done @!p1 $0x0  }
0x33: {  	s30 =	simm.s32 $0x200;
	[sflag:s4] =	ssyncadd.s32 @!p1 $0xFFFFC000  }
0x34: {  	[tilespmem:s24], [sflag:$0x5] =	stream.indirect.gather [spmem:s2], $0x80, s30, s17, $0xb8;
	[tilespmem:$0x17B50] =	vst v63  }
0x35: {  	_ =	swait.ge [sflag:s25], $0x4000  }
0x36: {  	p1 =	por $0x0, $0x0;
	[sflag:s25] =	ssyncset.done $0x0  }
0x37: {  	s4 =	simm.s32 @p1 $0x3;
	s31 =	rddreg [dreg:$0x9];
	[sflag:s25] =	ssyncadd.s32 $0xFFFFC000  }
0x38: {  	[hbm4b:s31+s3] =	stream.linear.scatter [tilespmem:s19], [sflag:$0x7], $0x4000, $0x38;
	[tilespmem:$0x17B50] =	vst v63  }
0x39: {  	_ =	swait.ge @p1 [sflag:s4], $0x4000  }
0x3a: {  	s9 =	simm.s32 @p1 $0x9C00;
	s11 =	simm.s32 @!p1 $0x6;
	[sflag:s4] =	ssyncset.done @p1 $0x0  }
0x3b: {  	s5 =	rddreg [dreg:$0x5];
	[sflag:s4] =	ssyncadd.s32 @p1 $0xFFFFC000;
	s4 =	simm.s32 @p1 $0x0  }
0x3c: {  	[hbm4b:s5+s4] =	stream.linear.scatter @p1 [tilespmem:s9], [sflag:$0x8], $0x4000, $0x38;
	[tilespmem:$0x17B50] =	vst v63  }
0x3d: {  	_ =	swait.ge @!p1 [sflag:s11], $0x4000  }
0x3e: {  	s4 =	simm.s32 @!p1 $0x280;
	s5 =	simm.s32 @!p1 $0x80;
	[sflag:s11] =	ssyncset.done @!p1 $0x0  }
0x3f: {  	s9 =	simm.s32 @!p1 $0x1C00;
	[sflag:s11] =	ssyncadd.s32 @!p1 $0xFFFFC000;
	s11 =	simm.s32 @!p1 $0x3  }
0x40: {  	[tilespmem:s9], [sflag:$0x1] =	stream.indirect.gather @!p1 [spmem:s2], $0x80, s4, s5, $0xb8;
	[tilespmem:$0x17B50] =	vst v63  }
0x41: {  	_ =	swait.ge @!p1 [sflag:s11], $0x4000  }
0x42: {  	s4 =	simm.s32 @!p1 $0x0;
	s9 =	simm.s32 @!p1 $0x9C00;
	[sflag:s11] =	ssyncset.done @!p1 $0x0  }
0x43: {  	s0 =	rddreg [dreg:$0x8];
	[sflag:s11] =	ssyncadd.s32 @!p1 $0xFFFFC000;
	s11 =	simm.s32 @!p1 $0x7  }
0x44: {  	[hbm4b:s0+s4] =	stream.linear.scatter @!p1 [tilespmem:s9], [sflag:$0x8], $0x4000, $0x38;
	[tilespmem:$0x17B50] =	vst v63  }
0x45: {  	_ =	swait.ge @!p1 [sflag:s11], $0x4000  }
0x46: {  	[sflag:s11] =	ssyncset.done @!p1 $0x0  }
0x47: {  	s13 =	simm.s32 @!p1 $0x5C00;
	s4 =	simm.s32 @!p1 $0x300;
	[sflag:s11] =	ssyncadd.s32 @!p1 $0xFFFFC000  }
0x48: {  	[tilespmem:s13], [sflag:$0x2] =	stream.indirect.gather @!p1 [spmem:s2], $0x80, s4, s5, $0xb8;
	[tilespmem:$0x17B50] =	vst v63  }
0x49: {  	_ =	swait.ge [sflag:s26], $0x4000  }
0x4a: {  	[sflag:s26] =	ssyncset.done $0x0  }
0x4b: {  	s4 =	simm.s32 @!p1 $0x8;
	[sflag:s26] =	ssyncadd.s32 $0xFFFFC000  }
0x4c: {  	[hbm4b:s10+s3] =	stream.linear.scatter [tilespmem:s22], [sflag:$0x9], $0x4000, $0x38;
	[tilespmem:$0x17B50] =	vst v63  }
0x4d: {  	p2 =	por $0x0, $0x0;
	_ =	swait.ge @!p1 [sflag:s4], $0x4000  }
0x4e: {  	s21 =	simm.s32 $0xA00;
	s15 =	simm.s32 @!p1 $0x380;
	[sflag:s4] =	ssyncset.done @!p1 $0x0  }
0x4f: {  	s20 =	sadd.s32 $0x50000, s0;
	s11 =	simm.s32 $0x1400;
	[sflag:s4] =	ssyncadd.s32 @!p1 $0xFFFFC000  }
0x50: {  	[tilespmem:s9], [sflag:$0x3] =	stream.indirect.gather @!p1 [spmem:s2], $0x80, s15, s5, $0xb8;
	[tilespmem:$0x17B50] =	vst v63  }
0x51: {  	s13 =	sadd.s32 $0x50000, s14;
	s4 =	sadd.s32 $0x50000, s8;
	s15 =	sadd.s32 $0x50000, s10  }
0x52: {  	s5 =	sadd.s32 $0x50000, s31;
	s9 =	smov.u32 s14;
	_ =	swait.ge [sflag:s28], $0x4000  }
.LBB2_2:
0x53: {  	[sflag:s28] =	ssyncset.done $0x0  }
0x54: {  	s16 =	simm.s32 @!p2 $0x9;
	[sflag:s28] =	ssyncadd.s32 $0xFFFFC000  }
0x55: {  	[hbm4b:s9+s3] =	stream.linear.scatter [tilespmem:s24], [sflag:$0xA], $0x4000, $0x38;
	[tilespmem:$0x17B50] =	vst v63  }
0x56: {  	_ =	swait.ge @!p2 [sflag:s16], $0x4000  }
0x57: {  	s30 =	sshra.s32 s21, $0x2;
	[sflag:s16] =	ssyncset.done @!p2 $0x0  }
0x58: {  	s31 =	sadd.s32 $0x180, s30;
	[sflag:s16] =	ssyncadd.s32 @!p2 $0xFFFFC000  }
0x59: {  	[tilespmem:s22], [sflag:$0x4] =	stream.indirect.gather [spmem:s2], $0x80, s31, s17, $0xb8;
	[tilespmem:$0x17B50] =	vst v63  }
0x5a: {  	_ =	swait.ge [sflag:s23], $0x4000  }
0x5b: {  	[sflag:s23] =	ssyncset.done $0x0  }
0x5c: {  	s16 =	simm.s32 @!p2 $0xA;
	[sflag:s23] =	ssyncadd.s32 $0xFFFFC000  }
0x5d: {  	[hbm4b:s4+s3] =	stream.linear.scatter [tilespmem:s18], [sflag:$0x6], $0x4000, $0x38;
	[tilespmem:$0x17B50] =	vst v63  }
0x5e: {  	_ =	swait.ge @!p2 [sflag:s16], $0x4000  }
0x5f: {  	[sflag:s16] =	ssyncset.done @!p2 $0x0  }
0x60: {  	s30 =	sadd.s32 $0x200, s30;
	[sflag:s16] =	ssyncadd.s32 @!p2 $0xFFFFC000  }
0x61: {  	[tilespmem:s24], [sflag:$0x5] =	stream.indirect.gather [spmem:s2], $0x80, s30, s17, $0xb8;
	[tilespmem:$0x17B50] =	vst v63  }
0x62: {  	_ =	swait.ge [sflag:s25], $0x4000  }
0x63: {  	p2 =	seq.s32 s21, $0x5A00;
	[sflag:s25] =	ssyncset.done $0x0  }
0x64: {  	s16 =	simm.s32 @p2 $0x3;
	[sflag:s25] =	ssyncadd.s32 $0xFFFFC000  }
0x65: {  	[hbm4b:s5+s3] =	stream.linear.scatter [tilespmem:s19], [sflag:$0x7], $0x4000, $0x38;
	[tilespmem:$0x17B50] =	vst v63  }
0x66: {  	_ =	swait.ge @p2 [sflag:s16], $0x4000  }
0x67: {  	s6 =	simm.s32 @p2 $0x9C00;
	s7 =	simm.s32 @!p2 $0x6;
	[sflag:s16] =	ssyncset.done @p2 $0x0  }
0x68: {  	s0 =	rddreg [dreg:$0x5];
	[sflag:s16] =	ssyncadd.s32 @p2 $0xFFFFC000;
	s16 =	simm.s32 @p2 $0x0  }
0x69: {  	[hbm4b:s0+s16] =	stream.linear.scatter @p2 [tilespmem:s6], [sflag:$0x8], $0x4000, $0x38;
	[tilespmem:$0x17B50] =	vst v63  }
0x6a: {  	s21 =	sshra.s32 @!p2 s21, $0x2;
	_ =	swait.ge @!p2 [sflag:s7], $0x4000  }
0x6b: {  	s30 =	sadd.s32 @!p2 $0x280, s21;
	s0 =	simm.s32 @!p2 $0x80;
	[sflag:s7] =	ssyncset.done @!p2 $0x0  }
0x6c: {  	s6 =	simm.s32 @!p2 $0x1C00;
	[sflag:s7] =	ssyncadd.s32 @!p2 $0xFFFFC000;
	s7 =	simm.s32 @!p2 $0x3  }
0x6d: {  	[tilespmem:s6], [sflag:$0x1] =	stream.indirect.gather @!p2 [spmem:s2], $0x80, s30, s0, $0xb8;
	[tilespmem:$0x17B50] =	vst v63  }
0x6e: {  	_ =	swait.ge @!p2 [sflag:s7], $0x4000  }
0x6f: {  	s16 =	simm.s32 @!p2 $0x9C00;
	[sflag:s7] =	ssyncset.done @!p2 $0x0  }
0x70: {  	s6 =	simm.s32 @!p2 $0x0;
	[sflag:s7] =	ssyncadd.s32 @!p2 $0xFFFFC000;
	s7 =	simm.s32 @!p2 $0x7  }
0x71: {  	[hbm4b:s20+s6] =	stream.linear.scatter @!p2 [tilespmem:s16], [sflag:$0x8], $0x4000, $0x38;
	[tilespmem:$0x17B50] =	vst v63  }
0x72: {  	_ =	swait.ge @!p2 [sflag:s7], $0x4000  }
0x73: {  	[sflag:s7] =	ssyncset.done @!p2 $0x0  }
0x74: {  	s31 =	sadd.s32 @!p2 $0x300, s21;
	s6 =	simm.s32 @!p2 $0x5C00;
	[sflag:s7] =	ssyncadd.s32 @!p2 $0xFFFFC000  }
0x75: {  	[tilespmem:s6], [sflag:$0x2] =	stream.indirect.gather @!p2 [spmem:s2], $0x80, s31, s0, $0xb8;
	[tilespmem:$0x17B50] =	vst v63  }
0x76: {  	s29 =	smov.u32 s11;
	s11 =	sadd.s32 $0xA00, s11;
	_ =	swait.ge [sflag:s26], $0x4000  }
0x77: {  	p1 =	sne.s32 s11, $0x6400;
	s9 =	smov.u32 s13;
	[sflag:s26] =	ssyncset.done $0x0  }
0x78: {  	s13 =	sadd.s32 $0x50000, s13;
	s6 =	simm.s32 @!p2 $0x8;
	[sflag:s26] =	ssyncadd.s32 $0xFFFFC000  }
0x79: {  	[hbm4b:s15+s3] =	stream.linear.scatter [tilespmem:s22], [sflag:$0x9], $0x4000, $0x38;
	[tilespmem:$0x17B50] =	vst v63  }
.Ltmp0:
0x7a: {  	s4 =	sadd.s32 $0x50000, s4;
	_ =	swait.ge @!p2 [sflag:s6], $0x4000;
	(pc) =	sbr.rel @p1 .LBB2_2-.Ltmp0, $4  }
0x7b: {  	s1 =	sadd.s32 @!p2 $0x380, s21;
	s21 =	smov.u32 s29;
	[sflag:s6] =	ssyncset.done @!p2 $0x0  }
0x7c: {  	s5 =	sadd.s32 $0x50000, s5;
	s20 =	sadd.s32 $0x50000, s20;
	[sflag:s6] =	ssyncadd.s32 @!p2 $0xFFFFC000  }
0x7d: {  	[tilespmem:s16], [sflag:$0x3] =	stream.indirect.gather @!p2 [spmem:s2], $0x80, s1, s0, $0xb8;
	[tilespmem:$0x17B50] =	vst v63  }
0x7e: {  	s15 =	sadd.s32 $0x50000, s15;
	p2 =	seq.s32 s21, $0x0;
	_ =	swait.ge [sflag:s28], $0x4000  }
0x7f: {  	[sflag:s28] =	ssyncset.done $0x0  }
0x80: {  	s0 =	simm.s32 @!p2 $0x9;
	[sflag:s28] =	ssyncadd.s32 $0xFFFFC000  }
0x81: {  	[hbm4b:s9+s3] =	stream.linear.scatter [tilespmem:s24], [sflag:$0xA], $0x4000, $0x38;
	[tilespmem:$0x17B50] =	vst v63  }
0x82: {  	_ =	swait.ge @!p2 [sflag:s0], $0x4000  }
0x83: {  	s1 =	sshra.s32 s21, $0x2;
	[sflag:s0] =	ssyncset.done @!p2 $0x0  }
0x84: {  	s11 =	sadd.s32 $0x180, s1;
	[sflag:s0] =	ssyncadd.s32 @!p2 $0xFFFFC000  }
0x85: {  	[tilespmem:s22], [sflag:$0x4] =	stream.indirect.gather [spmem:s2], $0x80, s11, s17, $0xb8;
	[tilespmem:$0x17B50] =	vst v63  }
0x86: {  	_ =	swait.ge [sflag:s23], $0x4000  }
0x87: {  	[sflag:s23] =	ssyncset.done $0x0  }
0x88: {  	s0 =	simm.s32 @!p2 $0xA;
	[sflag:s23] =	ssyncadd.s32 $0xFFFFC000  }
0x89: {  	[hbm4b:s4+s3] =	stream.linear.scatter [tilespmem:s18], [sflag:$0x6], $0x4000, $0x38;
	[tilespmem:$0x17B50] =	vst v63  }
0x8a: {  	_ =	swait.ge @!p2 [sflag:s0], $0x4000  }
0x8b: {  	[sflag:s0] =	ssyncset.done @!p2 $0x0  }
0x8c: {  	s1 =	sadd.s32 $0x200, s1;
	[sflag:s0] =	ssyncadd.s32 @!p2 $0xFFFFC000  }
0x8d: {  	[tilespmem:s24], [sflag:$0x5] =	stream.indirect.gather [spmem:s2], $0x80, s1, s17, $0xb8;
	[tilespmem:$0x17B50] =	vst v63  }
0x8e: {  	_ =	swait.ge [sflag:s25], $0x4000  }
0x8f: {  	p1 =	seq.s32 s21, $0x5A00;
	[sflag:s25] =	ssyncset.done $0x0  }
0x90: {  	s0 =	simm.s32 @p1 $0x3;
	[sflag:s25] =	ssyncadd.s32 $0xFFFFC000  }
0x91: {  	[hbm4b:s5+s3] =	stream.linear.scatter [tilespmem:s19], [sflag:$0x7], $0x4000, $0x38;
	[tilespmem:$0x17B50] =	vst v63  }
0x92: {  	_ =	swait.ge @p1 [sflag:s0], $0x4000  }
0x93: {  	s4 =	simm.s32 @p1 $0x9C00;
	[sflag:s0] =	ssyncset.done @p1 $0x0  }
0x94: {  	s1 =	rddreg [dreg:$0x5];
	[sflag:s0] =	ssyncadd.s32 @p1 $0xFFFFC000;
	s0 =	simm.s32 @p1 $0x0  }
0x95: {  	[hbm4b:s1+s0] =	stream.linear.scatter @p1 [tilespmem:s4], [sflag:$0x8], $0x4000, $0x38;
	[tilespmem:$0x17B50] =	vst v63  }
0x96: {  	s0 =	simm.s32 @!p1 $0x6  }
0x97: {  	_ =	swait.ge @!p1 [sflag:s0], $0x4000  }
0x98: {  	s5 =	simm.s32 @!p1 $0x80;
	s1 =	sshra.s32 @!p1 s21, $0x2;
	[sflag:s0] =	ssyncset.done @!p1 $0x0  }
0x99: {  	s4 =	sadd.s32 @!p1 $0x280, s1;
	[sflag:s0] =	ssyncadd.s32 @!p1 $0xFFFFC000;
	s0 =	simm.s32 @!p1 $0x1C00  }
0x9a: {  	[tilespmem:s0], [sflag:$0x1] =	stream.indirect.gather @!p1 [spmem:s2], $0x80, s4, s5, $0xb8;
	[tilespmem:$0x17B50] =	vst v63  }
0x9b: {  	s0 =	simm.s32 @!p1 $0x3  }
0x9c: {  	_ =	swait.ge @!p1 [sflag:s0], $0x4000  }
0x9d: {  	[sflag:s0] =	ssyncset.done @!p1 $0x0  }
0x9e: {  	s4 =	simm.s32 @!p1 $0x0;
	[sflag:s0] =	ssyncadd.s32 @!p1 $0xFFFFC000;
	s0 =	simm.s32 @!p1 $0x9C00  }
0x9f: {  	[hbm4b:s20+s4] =	stream.linear.scatter @!p1 [tilespmem:s0], [sflag:$0x8], $0x4000, $0x38;
	[tilespmem:$0x17B50] =	vst v63  }
0xa0: {  	s4 =	simm.s32 @!p1 $0x7  }
0xa1: {  	_ =	swait.ge @!p1 [sflag:s4], $0x4000  }
0xa2: {  	[sflag:s4] =	ssyncset.done @!p1 $0x0  }
0xa3: {  	s6 =	sadd.s32 @!p1 $0x300, s1;
	[sflag:s4] =	ssyncadd.s32 @!p1 $0xFFFFC000;
	s4 =	simm.s32 @!p1 $0x5C00  }
0xa4: {  	[tilespmem:s4], [sflag:$0x2] =	stream.indirect.gather @!p1 [spmem:s2], $0x80, s6, s5, $0xb8;
	[tilespmem:$0x17B50] =	vst v63  }
0xa5: {  	_ =	swait.ge [sflag:s26], $0x4000  }
0xa6: {  	[sflag:s26] =	ssyncset.done $0x0  }
0xa7: {  	s4 =	simm.s32 @!p1 $0x8;
	[sflag:s26] =	ssyncadd.s32 $0xFFFFC000  }
0xa8: {  	[hbm4b:s15+s3] =	stream.linear.scatter [tilespmem:s22], [sflag:$0x9], $0x4000, $0x38;
	[tilespmem:$0x17B50] =	vst v63  }
0xa9: {  	_ =	swait.ge @!p1 [sflag:s4], $0x4000  }
0xaa: {  	[sflag:s4] =	ssyncset.done @!p1 $0x0  }
0xab: {  	s1 =	sadd.s32 @!p1 $0x380, s1;
	[sflag:s4] =	ssyncadd.s32 @!p1 $0xFFFFC000  }
0xac: {  	[tilespmem:s0], [sflag:$0x3] =	stream.indirect.gather @!p1 [spmem:s2], $0x80, s1, s5, $0xb8;
	[tilespmem:$0x17B50] =	vst v63  }
0xad: {  	_ =	swait.ge [sflag:s28], $0x4000  }
0xae: {  	[sflag:s28] =	ssyncset.done $0x0  }
0xaf: {  	s16 =	simm.s32 $0x6;
	[sflag:s28] =	ssyncadd.s32 $0xFFFFC000  }
0xb0: {  	[hbm4b:s13+s3] =	stream.linear.scatter [tilespmem:s24], [sflag:$0xA], $0x4000, $0x38;
	[tilespmem:$0x17B50] =	vst v63  }
0xb1: {  	_ =	swait.ge [sflag:s16], $0x4000  }
0xb2: {  	[sflag:s16] =	ssyncset.done $0x0  }
0xb3: {  	s20 =	simm.s32 $0x7;
	[sflag:s16] =	ssyncadd.s32 $0xFFFFC000  }
0xb4: {  	_ =	swait.ge [sflag:s20], $0x4000  }
0xb5: {  	[sflag:s20] =	ssyncset.done $0x0  }
0xb6: {  	s21 =	simm.s32 $0x8;
	[sflag:s20] =	ssyncadd.s32 $0xFFFFC000  }
0xb7: {  	_ =	swait.ge [sflag:s21], $0x4000  }
0xb8: {  	[sflag:s21] =	ssyncset.done $0x0  }
0xb9: {  	s29 =	simm.s32 $0x9;
	[sflag:s21] =	ssyncadd.s32 $0xFFFFC000  }
0xba: {  	_ =	swait.ge [sflag:s29], $0x4000  }
0xbb: {  	[sflag:s29] =	ssyncset.done $0x0  }
0xbc: {  	s30 =	simm.s32 $0xA;
	[sflag:s29] =	ssyncadd.s32 $0xFFFFC000  }
0xbd: {  	_ =	swait.ge [sflag:s30], $0x4000  }
0xbe: {  	s12 =	sadd.s32 $0x1, s12;
	s31 =	rddreg [dreg:$0x7]  }
0xbf: {  	p1 =	sne.s32 s12, s31  }
.Ltmp1:
0xc0: {  	_ = 	snop;
	(pc) =	sbr.rel @p1 .LBB2_1-.Ltmp1, $3  }
0xc1: {  	_ =	sdelay $0x1  }
0xc2: {  	[sflag:s30] =	ssyncset.done $0x0  }
0xc3: {  	[sflag:s30] =	ssyncadd.s32 $0xFFFFC000  }
0xc4: {  	_ =	sfence.sel $0x180000  }
0xc5: {  	[bflag:$0x0] =	sbarrier.arrive $0xFFFF  }
0xc6: {  	_ =	strace $0x90000047  }
0xc7: {  	[bflag:$0x2] =	sbarrier.arrive $0xFFFF  }
0xc8: {  	s0 =	rddreg [dreg:$0x4]  }
0xc9: {  	s0 =	sadd.s32 @!p0 $0x100000, s0  }
0xca: {  	[sflag:s0] =	ssyncadd.tile.s32 @!p0 $0x1;
	_ =	shalt  }
.Lfunc_end2:
_tile_overlayer_lowered:
.L_overlay_start_2:
0xcb: {  	(tag) =	ssettag $0x2  }
0xcc: {  	s0 =	rddreg [dreg:$0x0];
	s2 =	stileid.u32  }
0xcd: {  	s1 =	rddreg [dreg:$0x1];
	p0 =	sne.s32 s2, $0x0  }
0xce: {  	s3 =	rddreg [dreg:$0x2];
	[bflag:$0x3] =	sbarrier.arrive $0xFFFF;
	s2 =	simm.s32 @!p0 $0x1C0B  }
0xcf: {  	[timem:s3], [sflag:s2] =	dma.local @!p0 [hbm:s0], s1  }
0xd0: {  	s0 =	simm.s32 @!p0 $0xB  }
0xd1: {  	_ =	swait.ge @!p0 [sflag:s0], s1  }
0xd2: {  	s1 =	ssub.s32 @!p0 $0x0, s1;
	[sflag:s0] =	ssyncset.done @!p0 $0x0  }
0xd3: {  	[sflag:s0] =	ssyncadd.s32 @!p0 s1  }
0xd4: {  	[bflag:$0x3] =	sbarrier.arrive $0xFFFF  }
0xd5: {  	_ =	shalt  }

</sc_bundles>
